<compile_context>
chip_gen: v7x
topology: tpu7x:2x2x1
jax: 0.10.2.dev20260603
libtpu: 0.0.44.dev20260713+nightly
codegen_flags: <defaults>
</compile_context>

<pallas_src>
import functools

import jax
import jax.numpy as jnp
from jax import lax
from jax.experimental import pallas as pl
from jax.experimental.pallas import tpu as pltpu
from jax.experimental.pallas import tpu_sc as plsc

V = 1000
N_RANGES = 8
ROWS = V // N_RANGES
N_CHUNKS = 4
BLK = 4000
BLKW = BLK // 2
JGRPS = BLK // 32
BINS_PAD = 125008


def _sc_partial_counts(xw, n_tokens):
    chunk = n_tokens // N_CHUNKS
    chunk_w = chunk // 2
    nblk = chunk // BLK
    mesh = plsc.VectorSubcoreMesh(core_axis_name="c", subcore_axis_name="s")

    @functools.partial(
        pl.kernel,
        out_type=jax.ShapeDtypeStruct((N_CHUNKS, N_RANGES, ROWS * V), jnp.float32),
        mesh=mesh,
        scratch_types=[
            pltpu.VMEM((BINS_PAD,), jnp.float32),
            pltpu.VMEM((BLKW + 16,), jnp.int32),
            pltpu.VMEM((BLKW + 16,), jnp.int32),
            pltpu.VMEM((BLKW + 16,), jnp.int32),
            pltpu.SemaphoreType.DMA,
            pltpu.SemaphoreType.DMA,
            pltpu.SemaphoreType.DMA,
        ],
        compiler_params=pltpu.CompilerParams(
            use_tc_tiling_on_sc=False, needs_layout_passes=False
        ),
    )
    def sc_kernel(x_hbm, out_hbm, bins, buf0, buf1, buf2, sem0, sem1, sem2):
        cid = lax.axis_index("c")
        sid = lax.axis_index("s")
        r = sid % N_RANGES
        g = cid * 2 + sid // N_RANGES
        lo = r * ROWS
        tok0w = g * chunk_w

        bufs = (buf0, buf1, buf2)
        sems = (sem0, sem1, sem2)
        NBUF = 3

        def copy_obj(kblk, b, is_last):
            base = tok0w + kblk * BLKW
            if is_last:
                return pltpu.make_async_copy(
                    x_hbm.at[pl.ds(base, BLKW)], bufs[b].at[pl.ds(0, BLKW)],
                    sems[b]
                )
            return pltpu.make_async_copy(
                x_hbm.at[pl.ds(base, BLKW + 16)], bufs[b], sems[b]
            )

        def start(kblk, b):
            last = (g == N_CHUNKS - 1) & (kblk == nblk - 1)

            @pl.when(last)
            def _():
                copy_obj(kblk, b, True).start()

            @pl.when(~last)
            def _():
                copy_obj(kblk, b, False).start()

        def wait(kblk, b):
            last = (g == N_CHUNKS - 1) & (kblk == nblk - 1)

            @pl.when(last)
            def _():
                copy_obj(kblk, b, True).wait()

            @pl.when(~last)
            def _():
                copy_obj(kblk, b, False).wait()

        for b in range(NBUF):
            start(b, b)

        zf = jnp.zeros((16,), jnp.float32)

        def zero_body(i, carry):
            for u in range(13):
                bins[pl.ds((i * 13 + u) * 16, 16)] = zf
            return carry

        lax.fori_loop(0, BINS_PAD // (13 * 16), zero_body, 0)

        lanes = lax.iota(jnp.int32, 16)
        ones = jnp.ones((16,), jnp.float32)
        lo_v = jnp.full((16,), 1, jnp.int32) * lo
        rows_u = jnp.full((16,), ROWS, jnp.uint32)
        mask16 = jnp.full((16,), 0xFFFF, jnp.int32)

        def flat_mask(src, dst):
            row = src - lo_v
            flat = row * jnp.int32(V) + dst
            m = plsc.bitcast(row, jnp.uint32) < rows_u
            return flat, m

        def load_j(buf, j):
            e = j * 16
            v0 = buf[pl.ds(e, 16)]
            v1 = buf[pl.ds(e + 1, 16)]
            a0 = v0 & mask16
            b0 = lax.shift_right_logical(v0, jnp.int32(16))
            a1 = v1 & mask16
            return flat_mask(a0, b0), flat_mask(b0, a1)

        UNROLL = 5

        def process(buf):
            def grp(jj, carry):
                pairs = [load_j(buf, jj * UNROLL + u) for u in range(UNROLL)]
                for even, odd in pairs:
                    plsc.addupdate_scatter(bins, [even[0]], ones, mask=even[1])
                    plsc.addupdate_scatter(bins, [odd[0]], ones, mask=odd[1])
                return carry

            lax.fori_loop(0, JGRPS // UNROLL, grp, 0)

        def outer(i, carry):
            for b in range(NBUF):
                kblk = NBUF * i + b

                @pl.when(kblk < nblk)
                def _():
                    wait(kblk, b)
                    process(bufs[b])

                    @pl.when(kblk + NBUF < nblk)
                    def _():
                        start(kblk + NBUF, b)

            return carry

        lax.fori_loop(0, (nblk + NBUF - 1) // NBUF, outer, 0)

        @pl.when(g == N_CHUNKS - 1)
        def _():
            _, (flat, m) = load_j(bufs[(nblk - 1) % NBUF], JGRPS - 1)
            plsc.addupdate_scatter(bins, [flat], -ones, mask=m & (lanes == 15))

        pltpu.sync_copy(bins.at[pl.ds(0, ROWS * V)], out_hbm.at[g, r])

    return sc_kernel(xw)


def _normalize(partials, w):
    def body(p_ref, w_ref, o_ref):
        c = p_ref[0] + p_ref[1] + p_ref[2] + p_ref[3] + w_ref[...]
        s = jnp.sum(c, axis=1, keepdims=True)
        o_ref[...] = (c + 1.0) / (s + jnp.float32(V))

    return pl.pallas_call(
        body,
        out_shape=jax.ShapeDtypeStruct((V, V), jnp.float32),
    )(partials, w)


@jax.jit
def kernel(X, weight_matrix):
    n = X.shape[0]
    xw = jax.lax.bitcast_convert_type(
        X.astype(jnp.int16).reshape(n // 2, 2), jnp.int32
    )
    partials = _sc_partial_counts(xw, n)
    return _normalize(partials.reshape(N_CHUNKS, V, V), weight_matrix)

# --- scband reference (transcript-rebuilt; emitter-appended) ---
"""Pipeline reference for scband-bigram-18373870092927 (READ-ONLY COPY).

The authoritative reference and input builder live on the scoring server;
editing this copy changes nothing except your own understanding.
"""

import jax, jax.numpy as jnp
import numpy as np

VOCAB_SIZE = 1000
N_TOKENS = 2000000

def setup_inputs(seed: int = 0) -> dict:
    key = jax.random.key(seed)
    k1, k2 = jax.random.split(key)
    X = jax.random.randint(k1, (N_TOKENS,), 0, VOCAB_SIZE, dtype=jnp.int64 if jax.config.jax_enable_x64 else jnp.int32)
    weight_matrix = jnp.zeros((VOCAB_SIZE, VOCAB_SIZE), dtype=jnp.float32)
    return {"X": X, "weight_matrix": weight_matrix}

def reference(X, weight_matrix):
    # Bigram counting: for each consecutive pair (i, j) in X, weight_matrix[i, j] += 1
    src = X[:-1]
    dst = X[1:]
    counts = weight_matrix.at[src, dst].add(1.0)
    # Laplace-smoothed occurrence ratios
    sumation = counts.sum(axis=1, keepdims=True)
    occurence_ratio = (counts + 1.0) / (sumation + VOCAB_SIZE)
    return occurence_ratio

if __name__ == "__main__":
    import jax
    _d = setup_inputs()
    print(jax.jit(kernel)(*tuple(_d.values())))

</pallas_src>

<mosaic_0001>
#map = affine_map<(d0, d1) -> (0)>
#map1 = affine_map<(d0, d1) -> (0, 0, 0)>
module attributes {stable_mosaic.version = 14 : i64} {
  func.func @sc_kernel(%arg0: i32, %arg1: i32, %arg2: memref<1000000xi32, #tpu.memory_space<hbm>>, %arg3: memref<4x8x125000xf32, #tpu.memory_space<hbm>>, %arg4: memref<125008xf32, #tpu.memory_space<vmem>>, %arg5: memref<2016xi32, #tpu.memory_space<vmem>>, %arg6: memref<2016xi32, #tpu.memory_space<vmem>>, %arg7: memref<2016xi32, #tpu.memory_space<vmem>>, %arg8: memref<!tpu.dma_semaphore, #tpu.memory_space<semaphore_mem>>, %arg9: memref<!tpu.dma_semaphore, #tpu.memory_space<semaphore_mem>>, %arg10: memref<!tpu.dma_semaphore, #tpu.memory_space<semaphore_mem>>) attributes {dimension_semantics = [#tpu.dimension_semantics<core_parallel>, #tpu.dimension_semantics<subcore_parallel>], iteration_bounds = array<i64: 2, 16>, scalar_prefetch = 0 : i64, scratch_operands = 7 : i64, tpu.core_type = #tpu.core_type<sc_vector_subcore>, window_params = [{transform_indices = #map}, {transform_indices = #map1}]} {
    %jit3A = arith.constant 8 : i32
    %eq3A = arith.constant 0 : i32
    %eq3A_0 = arith.cmpi eq, %jit3A, %eq3A : i32
    %jit3A_1 = arith.constant 1 : i32
    %select_n3A = arith.select %eq3A_0, %jit3A_1, %jit3A : i32
    %rem3A = arith.remsi %arg1, %select_n3A : i32
    %ne3A = arith.constant 0 : i32
    %ne3A_2 = arith.cmpi ne, %rem3A, %ne3A : i32
    %lt3A = arith.constant 0 : i32
    %lt3A_3 = arith.cmpi slt, %rem3A, %lt3A : i32
    %lt3A_4 = arith.constant 0 : i32
    %lt3A_5 = arith.cmpi slt, %select_n3A, %lt3A_4 : i32
    %ne3A_6 = arith.xori %lt3A_3, %lt3A_5 : i1
    %and3A = arith.andi %ne3A_6, %ne3A_2 : i1
    %add3A = arith.addi %rem3A, %select_n3A : i32
    %select_n3A_7 = arith.select %and3A, %add3A, %rem3A : i32
    %mul3A = arith.constant 2 : i32
    %mul3A_8 = arith.muli %arg0, %mul3A : i32
    %jit3A_9 = arith.constant 8 : i32
    %div3A = arith.divsi %arg1, %jit3A_9 : i32
    %sign3A = arith.constant 0 : i32
    %sign3A_10 = arith.cmpi sgt, %arg1, %sign3A : i32
    %sign3A_11 = arith.extui %sign3A_10 : i1 to i32
    %sign3A_12 = arith.constant 0 : i32
    %sign3A_13 = arith.cmpi slt, %arg1, %sign3A_12 : i32
    %sign3A_14 = arith.extui %sign3A_13 : i1 to i32
    %sign3A_15 = arith.subi %sign3A_11, %sign3A_14 : i32
    %sign3A_16 = arith.constant 0 : i32
    %sign3A_17 = arith.cmpi sgt, %jit3A_9, %sign3A_16 : i32
    %sign3A_18 = arith.extui %sign3A_17 : i1 to i32
    %sign3A_19 = arith.constant 0 : i32
    %sign3A_20 = arith.cmpi slt, %jit3A_9, %sign3A_19 : i32
    %sign3A_21 = arith.extui %sign3A_20 : i1 to i32
    %sign3A_22 = arith.subi %sign3A_18, %sign3A_21 : i32
    %ne3A_23 = arith.cmpi ne, %sign3A_15, %sign3A_22 : i32
    %rem3A_24 = arith.remsi %arg1, %jit3A_9 : i32
    %ne3A_25 = arith.constant 0 : i32
    %ne3A_26 = arith.cmpi ne, %rem3A_24, %ne3A_25 : i32
    %and3A_27 = arith.andi %ne3A_23, %ne3A_26 : i1
    %sub3A = arith.constant 1 : i32
    %sub3A_28 = arith.subi %div3A, %sub3A : i32
    %select_n3A_29 = arith.select %and3A_27, %sub3A_28, %div3A : i32
    %add3A_30 = arith.addi %mul3A_8, %select_n3A_29 : i32
    %mul3A_31 = arith.constant 125 : i32
    %mul3A_32 = arith.muli %select_n3A_7, %mul3A_31 : i32
    %mul3A_33 = arith.constant 250000 : i32
    %mul3A_34 = arith.muli %add3A_30, %mul3A_33 : i32
    %eq3A_35 = arith.constant 3 : i32
    %eq3A_36 = arith.cmpi eq, %add3A_30, %eq3A_35 : i32
    %and3A_37 = arith.constant false
    %and3A_38 = arith.andi %eq3A_36, %and3A_37 : i1
    %convert_element_type3A = arith.extui %and3A_38 : i1 to i32
    %cond3A = arith.constant 0 : i32
    %cond3A_39 = arith.cmpi ne, %convert_element_type3A, %cond3A : i32
    scf.if %cond3A_39 {
      %add3A_95 = arith.constant 0 : i32
      %add3A_96 = arith.addi %mul3A_34, %add3A_95 : i32
      %dma_start3A = arith.constant 0 : i32
      %dma_start3A_97 = tpu.memref_slice %arg5[%dma_start3A] : memref<2016xi32, #tpu.memory_space<vmem>> -> memref<2000xi32, #tpu.memory_space<vmem>>
      %dma_start3A_98 = tpu.memref_slice %arg2[%add3A_96] : memref<1000000xi32, #tpu.memory_space<hbm>> -> memref<2000xi32, #tpu.memory_space<hbm>>
      %dma_start3A_99 = arith.constant 0 : i32
      %dma_start3A_100 = tpu.memref_slice %arg5[%dma_start3A_99] : memref<2016xi32, #tpu.memory_space<vmem>> -> memref<2000xi32, #tpu.memory_space<vmem>>
      %dma_start3A_101 = tpu.memref_slice %arg2[%add3A_96] : memref<1000000xi32, #tpu.memory_space<hbm>> -> memref<2000xi32, #tpu.memory_space<hbm>>
      tpu.enqueue_dma source(%dma_start3A_101 : memref<2000xi32, #tpu.memory_space<hbm>>) target(%dma_start3A_100 : memref<2000xi32, #tpu.memory_space<vmem>>) target_semaphore(%arg8 : memref<!tpu.dma_semaphore, #tpu.memory_space<semaphore_mem>>)
    } else {
    }
    %not3A = arith.constant true
    %not3A_40 = arith.xori %and3A_38, %not3A : i1
    %convert_element_type3A_41 = arith.extui %not3A_40 : i1 to i32
    %cond3A_42 = arith.constant 0 : i32
    %cond3A_43 = arith.cmpi ne, %convert_element_type3A_41, %cond3A_42 : i32
    scf.if %cond3A_43 {
      %add3A_95 = arith.constant 0 : i32
      %add3A_96 = arith.addi %mul3A_34, %add3A_95 : i32
      %dma_start3A = tpu.memref_slice %arg2[%add3A_96] : memref<1000000xi32, #tpu.memory_space<hbm>> -> memref<2016xi32, #tpu.memory_space<hbm>>
      %dma_start3A_97 = tpu.memref_slice %arg2[%add3A_96] : memref<1000000xi32, #tpu.memory_space<hbm>> -> memref<2016xi32, #tpu.memory_space<hbm>>
      tpu.enqueue_dma source(%dma_start3A_97 : memref<2016xi32, #tpu.memory_space<hbm>>) target(%arg5 : memref<2016xi32, #tpu.memory_space<vmem>>) target_semaphore(%arg8 : memref<!tpu.dma_semaphore, #tpu.memory_space<semaphore_mem>>)
    } else {
    }
    %eq3A_44 = arith.constant 3 : i32
    %eq3A_45 = arith.cmpi eq, %add3A_30, %eq3A_44 : i32
    %and3A_46 = arith.constant false
    %and3A_47 = arith.andi %eq3A_45, %and3A_46 : i1
    %convert_element_type3A_48 = arith.extui %and3A_47 : i1 to i32
    %cond3A_49 = arith.constant 0 : i32
    %cond3A_50 = arith.cmpi ne, %convert_element_type3A_48, %cond3A_49 : i32
    scf.if %cond3A_50 {
      %add3A_95 = arith.constant 2000 : i32
      %add3A_96 = arith.addi %mul3A_34, %add3A_95 : i32
      %dma_start3A = arith.constant 0 : i32
      %dma_start3A_97 = tpu.memref_slice %arg6[%dma_start3A] : memref<2016xi32, #tpu.memory_space<vmem>> -> memref<2000xi32, #tpu.memory_space<vmem>>
      %dma_start3A_98 = tpu.memref_slice %arg2[%add3A_96] : memref<1000000xi32, #tpu.memory_space<hbm>> -> memref<2000xi32, #tpu.memory_space<hbm>>
      %dma_start3A_99 = arith.constant 0 : i32
      %dma_start3A_100 = tpu.memref_slice %arg6[%dma_start3A_99] : memref<2016xi32, #tpu.memory_space<vmem>> -> memref<2000xi32, #tpu.memory_space<vmem>>
      %dma_start3A_101 = tpu.memref_slice %arg2[%add3A_96] : memref<1000000xi32, #tpu.memory_space<hbm>> -> memref<2000xi32, #tpu.memory_space<hbm>>
      tpu.enqueue_dma source(%dma_start3A_101 : memref<2000xi32, #tpu.memory_space<hbm>>) target(%dma_start3A_100 : memref<2000xi32, #tpu.memory_space<vmem>>) target_semaphore(%arg9 : memref<!tpu.dma_semaphore, #tpu.memory_space<semaphore_mem>>)
    } else {
    }
    %not3A_51 = arith.constant true
    %not3A_52 = arith.xori %and3A_47, %not3A_51 : i1
    %convert_element_type3A_53 = arith.extui %not3A_52 : i1 to i32
    %cond3A_54 = arith.constant 0 : i32
    %cond3A_55 = arith.cmpi ne, %convert_element_type3A_53, %cond3A_54 : i32
    scf.if %cond3A_55 {
      %add3A_95 = arith.constant 2000 : i32
      %add3A_96 = arith.addi %mul3A_34, %add3A_95 : i32
      %dma_start3A = tpu.memref_slice %arg2[%add3A_96] : memref<1000000xi32, #tpu.memory_space<hbm>> -> memref<2016xi32, #tpu.memory_space<hbm>>
      %dma_start3A_97 = tpu.memref_slice %arg2[%add3A_96] : memref<1000000xi32, #tpu.memory_space<hbm>> -> memref<2016xi32, #tpu.memory_space<hbm>>
      tpu.enqueue_dma source(%dma_start3A_97 : memref<2016xi32, #tpu.memory_space<hbm>>) target(%arg6 : memref<2016xi32, #tpu.memory_space<vmem>>) target_semaphore(%arg9 : memref<!tpu.dma_semaphore, #tpu.memory_space<semaphore_mem>>)
    } else {
    }
    %eq3A_56 = arith.constant 3 : i32
    %eq3A_57 = arith.cmpi eq, %add3A_30, %eq3A_56 : i32
    %and3A_58 = arith.constant false
    %and3A_59 = arith.andi %eq3A_57, %and3A_58 : i1
    %convert_element_type3A_60 = arith.extui %and3A_59 : i1 to i32
    %cond3A_61 = arith.constant 0 : i32
    %cond3A_62 = arith.cmpi ne, %convert_element_type3A_60, %cond3A_61 : i32
    scf.if %cond3A_62 {
      %add3A_95 = arith.constant 4000 : i32
      %add3A_96 = arith.addi %mul3A_34, %add3A_95 : i32
      %dma_start3A = arith.constant 0 : i32
      %dma_start3A_97 = tpu.memref_slice %arg7[%dma_start3A] : memref<2016xi32, #tpu.memory_space<vmem>> -> memref<2000xi32, #tpu.memory_space<vmem>>
      %dma_start3A_98 = tpu.memref_slice %arg2[%add3A_96] : memref<1000000xi32, #tpu.memory_space<hbm>> -> memref<2000xi32, #tpu.memory_space<hbm>>
      %dma_start3A_99 = arith.constant 0 : i32
      %dma_start3A_100 = tpu.memref_slice %arg7[%dma_start3A_99] : memref<2016xi32, #tpu.memory_space<vmem>> -> memref<2000xi32, #tpu.memory_space<vmem>>
      %dma_start3A_101 = tpu.memref_slice %arg2[%add3A_96] : memref<1000000xi32, #tpu.memory_space<hbm>> -> memref<2000xi32, #tpu.memory_space<hbm>>
      tpu.enqueue_dma source(%dma_start3A_101 : memref<2000xi32, #tpu.memory_space<hbm>>) target(%dma_start3A_100 : memref<2000xi32, #tpu.memory_space<vmem>>) target_semaphore(%arg10 : memref<!tpu.dma_semaphore, #tpu.memory_space<semaphore_mem>>)
    } else {
    }
    %not3A_63 = arith.constant true
    %not3A_64 = arith.xori %and3A_59, %not3A_63 : i1
    %convert_element_type3A_65 = arith.extui %not3A_64 : i1 to i32
    %cond3A_66 = arith.constant 0 : i32
    %cond3A_67 = arith.cmpi ne, %convert_element_type3A_65, %cond3A_66 : i32
    scf.if %cond3A_67 {
      %add3A_95 = arith.constant 4000 : i32
      %add3A_96 = arith.addi %mul3A_34, %add3A_95 : i32
      %dma_start3A = tpu.memref_slice %arg2[%add3A_96] : memref<1000000xi32, #tpu.memory_space<hbm>> -> memref<2016xi32, #tpu.memory_space<hbm>>
      %dma_start3A_97 = tpu.memref_slice %arg2[%add3A_96] : memref<1000000xi32, #tpu.memory_space<hbm>> -> memref<2016xi32, #tpu.memory_space<hbm>>
      tpu.enqueue_dma source(%dma_start3A_97 : memref<2016xi32, #tpu.memory_space<hbm>>) target(%arg7 : memref<2016xi32, #tpu.memory_space<vmem>>) target_semaphore(%arg10 : memref<!tpu.dma_semaphore, #tpu.memory_space<semaphore_mem>>)
    } else {
    }
    %broadcast_in_dim3A = arith.constant 0.000000e+00 : f32
    %broadcast_in_dim3A_68 = vector.broadcast %broadcast_in_dim3A : f32 to vector<16xf32>
    %scan3A = arith.constant 0 : i32
    %scan3A_69 = arith.constant 0 : i32
    %scan3A_70 = arith.constant 601 : i32
    %scan3A_71 = arith.addi %scan3A_69, %scan3A_70 : i32
    %scan3A_72 = arith.constant 1 : i32
    scf.for %scan3A_95 = %scan3A_69 to %scan3A_71 step %scan3A_72  : i32 {
      %mul3A_96 = arith.constant 13 : i32
      %mul3A_97 = arith.muli %scan3A_95, %mul3A_96 : i32
      %add3A_98 = arith.constant 0 : i32
      %add3A_99 = arith.addi %mul3A_97, %add3A_98 : i32
      %mul3A_100 = arith.constant 16 : i32
      %mul3A_101 = arith.muli %add3A_99, %mul3A_100 : i32
      %swap3A = arith.index_cast %mul3A_101 : i32 to index
      %swap3A_102 = tpu.vector_load %arg4[%swap3A] {strides = array<i32>} : memref<125008xf32, #tpu.memory_space<vmem>>, vector<16xf32>,
      tpu.vector_store %arg4[%swap3A], %broadcast_in_dim3A_68 {strides = array<i32>} : memref<125008xf32, #tpu.memory_space<vmem>>, vector<16xf32>,
      %mul3A_103 = arith.constant 13 : i32
      %mul3A_104 = arith.muli %scan3A_95, %mul3A_103 : i32
      %add3A_105 = arith.constant 1 : i32
      %add3A_106 = arith.addi %mul3A_104, %add3A_105 : i32
      %mul3A_107 = arith.constant 16 : i32
      %mul3A_108 = arith.muli %add3A_106, %mul3A_107 : i32
      %swap3A_109 = arith.index_cast %mul3A_108 : i32 to index
      %swap3A_110 = tpu.vector_load %arg4[%swap3A_109] {strides = array<i32>} : memref<125008xf32, #tpu.memory_space<vmem>>, vector<16xf32>,
      tpu.vector_store %arg4[%swap3A_109], %broadcast_in_dim3A_68 {strides = array<i32>} : memref<125008xf32, #tpu.memory_space<vmem>>, vector<16xf32>,
      %mul3A_111 = arith.constant 13 : i32
      %mul3A_112 = arith.muli %scan3A_95, %mul3A_111 : i32
      %add3A_113 = arith.constant 2 : i32
      %add3A_114 = arith.addi %mul3A_112, %add3A_113 : i32
      %mul3A_115 = arith.constant 16 : i32
      %mul3A_116 = arith.muli %add3A_114, %mul3A_115 : i32
      %swap3A_117 = arith.index_cast %mul3A_116 : i32 to index
      %swap3A_118 = tpu.vector_load %arg4[%swap3A_117] {strides = array<i32>} : memref<125008xf32, #tpu.memory_space<vmem>>, vector<16xf32>,
      tpu.vector_store %arg4[%swap3A_117], %broadcast_in_dim3A_68 {strides = array<i32>} : memref<125008xf32, #tpu.memory_space<vmem>>, vector<16xf32>,
      %mul3A_119 = arith.constant 13 : i32
      %mul3A_120 = arith.muli %scan3A_95, %mul3A_119 : i32
      %add3A_121 = arith.constant 3 : i32
      %add3A_122 = arith.addi %mul3A_120, %add3A_121 : i32
      %mul3A_123 = arith.constant 16 : i32
      %mul3A_124 = arith.muli %add3A_122, %mul3A_123 : i32
      %swap3A_125 = arith.index_cast %mul3A_124 : i32 to index
      %swap3A_126 = tpu.vector_load %arg4[%swap3A_125] {strides = array<i32>} : memref<125008xf32, #tpu.memory_space<vmem>>, vector<16xf32>,
      tpu.vector_store %arg4[%swap3A_125], %broadcast_in_dim3A_68 {strides = array<i32>} : memref<125008xf32, #tpu.memory_space<vmem>>, vector<16xf32>,
      %mul3A_127 = arith.constant 13 : i32
      %mul3A_128 = arith.muli %scan3A_95, %mul3A_127 : i32
      %add3A_129 = arith.constant 4 : i32
      %add3A_130 = arith.addi %mul3A_128, %add3A_129 : i32
      %mul3A_131 = arith.constant 16 : i32
      %mul3A_132 = arith.muli %add3A_130, %mul3A_131 : i32
      %swap3A_133 = arith.index_cast %mul3A_132 : i32 to index
      %swap3A_134 = tpu.vector_load %arg4[%swap3A_133] {strides = array<i32>} : memref<125008xf32, #tpu.memory_space<vmem>>, vector<16xf32>,
      tpu.vector_store %arg4[%swap3A_133], %broadcast_in_dim3A_68 {strides = array<i32>} : memref<125008xf32, #tpu.memory_space<vmem>>, vector<16xf32>,
      %mul3A_135 = arith.constant 13 : i32
      %mul3A_136 = arith.muli %scan3A_95, %mul3A_135 : i32
      %add3A_137 = arith.constant 5 : i32
      %add3A_138 = arith.addi %mul3A_136, %add3A_137 : i32
      %mul3A_139 = arith.constant 16 : i32
      %mul3A_140 = arith.muli %add3A_138, %mul3A_139 : i32
      %swap3A_141 = arith.index_cast %mul3A_140 : i32 to index
      %swap3A_142 = tpu.vector_load %arg4[%swap3A_141] {strides = array<i32>} : memref<125008xf32, #tpu.memory_space<vmem>>, vector<16xf32>,
      tpu.vector_store %arg4[%swap3A_141], %broadcast_in_dim3A_68 {strides = array<i32>} : memref<125008xf32, #tpu.memory_space<vmem>>, vector<16xf32>,
      %mul3A_143 = arith.constant 13 : i32
      %mul3A_144 = arith.muli %scan3A_95, %mul3A_143 : i32
      %add3A_145 = arith.constant 6 : i32
      %add3A_146 = arith.addi %mul3A_144, %add3A_145 : i32
      %mul3A_147 = arith.constant 16 : i32
      %mul3A_148 = arith.muli %add3A_146, %mul3A_147 : i32
      %swap3A_149 = arith.index_cast %mul3A_148 : i32 to index
      %swap3A_150 = tpu.vector_load %arg4[%swap3A_149] {strides = array<i32>} : memref<125008xf32, #tpu.memory_space<vmem>>, vector<16xf32>,
      tpu.vector_store %arg4[%swap3A_149], %broadcast_in_dim3A_68 {strides = array<i32>} : memref<125008xf32, #tpu.memory_space<vmem>>, vector<16xf32>,
      %mul3A_151 = arith.constant 13 : i32
      %mul3A_152 = arith.muli %scan3A_95, %mul3A_151 : i32
      %add3A_153 = arith.constant 7 : i32
      %add3A_154 = arith.addi %mul3A_152, %add3A_153 : i32
      %mul3A_155 = arith.constant 16 : i32
      %mul3A_156 = arith.muli %add3A_154, %mul3A_155 : i32
      %swap3A_157 = arith.index_cast %mul3A_156 : i32 to index
      %swap3A_158 = tpu.vector_load %arg4[%swap3A_157] {strides = array<i32>} : memref<125008xf32, #tpu.memory_space<vmem>>, vector<16xf32>,
      tpu.vector_store %arg4[%swap3A_157], %broadcast_in_dim3A_68 {strides = array<i32>} : memref<125008xf32, #tpu.memory_space<vmem>>, vector<16xf32>,
      %mul3A_159 = arith.constant 13 : i32
      %mul3A_160 = arith.muli %scan3A_95, %mul3A_159 : i32
      %add3A_161 = arith.constant 8 : i32
      %add3A_162 = arith.addi %mul3A_160, %add3A_161 : i32
      %mul3A_163 = arith.constant 16 : i32
      %mul3A_164 = arith.muli %add3A_162, %mul3A_163 : i32
      %swap3A_165 = arith.index_cast %mul3A_164 : i32 to index
      %swap3A_166 = tpu.vector_load %arg4[%swap3A_165] {strides = array<i32>} : memref<125008xf32, #tpu.memory_space<vmem>>, vector<16xf32>,
      tpu.vector_store %arg4[%swap3A_165], %broadcast_in_dim3A_68 {strides = array<i32>} : memref<125008xf32, #tpu.memory_space<vmem>>, vector<16xf32>,
      %mul3A_167 = arith.constant 13 : i32
      %mul3A_168 = arith.muli %scan3A_95, %mul3A_167 : i32
      %add3A_169 = arith.constant 9 : i32
      %add3A_170 = arith.addi %mul3A_168, %add3A_169 : i32
      %mul3A_171 = arith.constant 16 : i32
      %mul3A_172 = arith.muli %add3A_170, %mul3A_171 : i32
      %swap3A_173 = arith.index_cast %mul3A_172 : i32 to index
      %swap3A_174 = tpu.vector_load %arg4[%swap3A_173] {strides = array<i32>} : memref<125008xf32, #tpu.memory_space<vmem>>, vector<16xf32>,
      tpu.vector_store %arg4[%swap3A_173], %broadcast_in_dim3A_68 {strides = array<i32>} : memref<125008xf32, #tpu.memory_space<vmem>>, vector<16xf32>,
      %mul3A_175 = arith.constant 13 : i32
      %mul3A_176 = arith.muli %scan3A_95, %mul3A_175 : i32
      %add3A_177 = arith.constant 10 : i32
      %add3A_178 = arith.addi %mul3A_176, %add3A_177 : i32
      %mul3A_179 = arith.constant 16 : i32
      %mul3A_180 = arith.muli %add3A_178, %mul3A_179 : i32
      %swap3A_181 = arith.index_cast %mul3A_180 : i32 to index
      %swap3A_182 = tpu.vector_load %arg4[%swap3A_181] {strides = array<i32>} : memref<125008xf32, #tpu.memory_space<vmem>>, vector<16xf32>,
      tpu.vector_store %arg4[%swap3A_181], %broadcast_in_dim3A_68 {strides = array<i32>} : memref<125008xf32, #tpu.memory_space<vmem>>, vector<16xf32>,
      %mul3A_183 = arith.constant 13 : i32
      %mul3A_184 = arith.muli %scan3A_95, %mul3A_183 : i32
      %add3A_185 = arith.constant 11 : i32
      %add3A_186 = arith.addi %mul3A_184, %add3A_185 : i32
      %mul3A_187 = arith.constant 16 : i32
      %mul3A_188 = arith.muli %add3A_186, %mul3A_187 : i32
      %swap3A_189 = arith.index_cast %mul3A_188 : i32 to index
      %swap3A_190 = tpu.vector_load %arg4[%swap3A_189] {strides = array<i32>} : memref<125008xf32, #tpu.memory_space<vmem>>, vector<16xf32>,
      tpu.vector_store %arg4[%swap3A_189], %broadcast_in_dim3A_68 {strides = array<i32>} : memref<125008xf32, #tpu.memory_space<vmem>>, vector<16xf32>,
      %mul3A_191 = arith.constant 13 : i32
      %mul3A_192 = arith.muli %scan3A_95, %mul3A_191 : i32
      %add3A_193 = arith.constant 12 : i32
      %add3A_194 = arith.addi %mul3A_192, %add3A_193 : i32
      %mul3A_195 = arith.constant 16 : i32
      %mul3A_196 = arith.muli %add3A_194, %mul3A_195 : i32
      %swap3A_197 = arith.index_cast %mul3A_196 : i32 to index
      %swap3A_198 = tpu.vector_load %arg4[%swap3A_197] {strides = array<i32>} : memref<125008xf32, #tpu.memory_space<vmem>>, vector<16xf32>,
      tpu.vector_store %arg4[%swap3A_197], %broadcast_in_dim3A_68 {strides = array<i32>} : memref<125008xf32, #tpu.memory_space<vmem>>, vector<16xf32>,
    }
    %scan3A_73 = arith.constant 601 : i32
    %iota3A = tpu.iota {dimensions = array<i32: 0>} : vector<16xi32>
    %broadcast_in_dim3A_74 = arith.constant 1.000000e+00 : f32
    %broadcast_in_dim3A_75 = vector.broadcast %broadcast_in_dim3A_74 : f32 to vector<16xf32>
    %broadcast_in_dim3A_76 = arith.constant 1 : i32
    %broadcast_in_dim3A_77 = vector.broadcast %broadcast_in_dim3A_76 : i32 to vector<16xi32>
    %mul3A_78 = vector.broadcast %mul3A_32 : i32 to vector<16xi32>
    %mul3A_79 = arith.muli %broadcast_in_dim3A_77, %mul3A_78 : vector<16xi32>
    %broadcast_in_dim3A_80 = arith.constant 125 : i32
    %broadcast_in_dim3A_81 = vector.broadcast %broadcast_in_dim3A_80 : i32 to vector<16xi32>
    %broadcast_in_dim3A_82 = arith.constant 65535 : i32
    %broadcast_in_dim3A_83 = vector.broadcast %broadcast_in_dim3A_82 : i32 to vector<16xi32>
    %scan3A_84 = arith.constant 0 : i32
    %scan3A_85 = arith.constant 0 : i32
    %scan3A_86 = arith.constant 42 : i32
    %scan3A_87 = arith.addi %scan3A_85, %scan3A_86 : i32
    %scan3A_88 = arith.constant 1 : i32
    scf.for %scan3A_95 = %scan3A_85 to %scan3A_87 step %scan3A_88  : i32 {
      %mul3A_96 = arith.constant 3 : i32
      %mul3A_97 = arith.muli %mul3A_96, %scan3A_95 : i32
      %add3A_98 = arith.constant 0 : i32
      %add3A_99 = arith.addi %mul3A_97, %add3A_98 : i32
      %lt3A_100 = arith.constant 125 : i32
      %lt3A_101 = arith.cmpi slt, %add3A_99, %lt3A_100 : i32
      %convert_element_type3A_102 = arith.extui %lt3A_101 : i1 to i32
      %cond3A_103 = arith.constant 0 : i32
      %cond3A_104 = arith.cmpi ne, %convert_element_type3A_102, %cond3A_103 : i32
      scf.if %cond3A_104 {
        %eq3A_123 = arith.constant 3 : i32
        %eq3A_124 = arith.cmpi eq, %add3A_30, %eq3A_123 : i32
        %eq3A_125 = arith.constant 124 : i32
        %eq3A_126 = arith.cmpi eq, %add3A_99, %eq3A_125 : i32
        %and3A_127 = arith.andi %eq3A_124, %eq3A_126 : i1
        %convert_element_type3A_128 = arith.extui %and3A_127 : i1 to i32
        %cond3A_129 = arith.constant 0 : i32
        %cond3A_130 = arith.cmpi ne, %convert_element_type3A_128, %cond3A_129 : i32
        scf.if %cond3A_130 {
          %mul3A_149 = arith.constant 2000 : i32
          %mul3A_150 = arith.muli %add3A_99, %mul3A_149 : i32
          %add3A_151 = arith.addi %mul3A_34, %mul3A_150 : i32
          %dma_wait3A = arith.constant 0 : i32
          %dma_wait3A_152 = tpu.memref_slice %arg5[%dma_wait3A] : memref<2016xi32, #tpu.memory_space<vmem>> -> memref<2000xi32, #tpu.memory_space<vmem>>
          %dma_wait3A_153 = tpu.memref_slice %arg2[%add3A_151] : memref<1000000xi32, #tpu.memory_space<hbm>> -> memref<2000xi32, #tpu.memory_space<hbm>>
          %dma_wait3A_154 = arith.constant 0 : i32
          %dma_wait3A_155 = tpu.memref_slice %arg5[%dma_wait3A_154] : memref<2016xi32, #tpu.memory_space<vmem>> -> memref<2000xi32, #tpu.memory_space<vmem>>
          %dma_wait3A_156 = tpu.memref_slice %arg2[%add3A_151] : memref<1000000xi32, #tpu.memory_space<hbm>> -> memref<2000xi32, #tpu.memory_space<hbm>>
          tpu.wait_dma2 semaphore(%arg8 : memref<!tpu.dma_semaphore, #tpu.memory_space<semaphore_mem>>) src(%dma_wait3A_156 : memref<2000xi32, #tpu.memory_space<hbm>>) dst(%dma_wait3A_155 : memref<2000xi32, #tpu.memory_space<vmem>>)
        } else {
        }
        %not3A_131 = arith.constant true
        %not3A_132 = arith.xori %and3A_127, %not3A_131 : i1
        %convert_element_type3A_133 = arith.extui %not3A_132 : i1 to i32
        %cond3A_134 = arith.constant 0 : i32
        %cond3A_135 = arith.cmpi ne, %convert_element_type3A_133, %cond3A_134 : i32
        scf.if %cond3A_135 {
          %mul3A_149 = arith.constant 2000 : i32
          %mul3A_150 = arith.muli %add3A_99, %mul3A_149 : i32
          %add3A_151 = arith.addi %mul3A_34, %mul3A_150 : i32
          %dma_wait3A = tpu.memref_slice %arg2[%add3A_151] : memref<1000000xi32, #tpu.memory_space<hbm>> -> memref<2016xi32, #tpu.memory_space<hbm>>
          %dma_wait3A_152 = tpu.memref_slice %arg2[%add3A_151] : memref<1000000xi32, #tpu.memory_space<hbm>> -> memref<2016xi32, #tpu.memory_space<hbm>>
          tpu.wait_dma2 semaphore(%arg8 : memref<!tpu.dma_semaphore, #tpu.memory_space<semaphore_mem>>) src(%dma_wait3A_152 : memref<2016xi32, #tpu.memory_space<hbm>>) dst(%arg5 : memref<2016xi32, #tpu.memory_space<vmem>>)
        } else {
        }
        %scan3A_136 = arith.constant 0 : i32
        %scan3A_137 = arith.constant 0 : i32
        %scan3A_138 = arith.constant 25 : i32
        %scan3A_139 = arith.addi %scan3A_137, %scan3A_138 : i32
        %scan3A_140 = arith.constant 1 : i32
        scf.for %scan3A_149 = %scan3A_137 to %scan3A_139 step %scan3A_140  : i32 {
          %mul3A_150 = arith.constant 5 : i32
          %mul3A_151 = arith.muli %scan3A_149, %mul3A_150 : i32
          %add3A_152 = arith.constant 0 : i32
          %add3A_153 = arith.addi %mul3A_151, %add3A_152 : i32
          %mul3A_154 = arith.constant 16 : i32
          %mul3A_155 = arith.muli %add3A_153, %mul3A_154 : i32
          %get3A = arith.index_cast %mul3A_155 : i32 to index
          %get3A_156 = tpu.vector_load %arg5[%get3A] {strides = array<i32>} : memref<2016xi32, #tpu.memory_space<vmem>>, vector<16xi32>,
          %add3A_157 = arith.constant 1 : i32
          %add3A_158 = arith.addi %mul3A_155, %add3A_157 : i32
          %get3A_159 = arith.index_cast %add3A_158 : i32 to index
          %get3A_160 = tpu.vector_load %arg5[%get3A_159] {strides = array<i32>} : memref<2016xi32, #tpu.memory_space<vmem>>, vector<16xi32>,
          %and3A_161 = arith.andi %get3A_156, %broadcast_in_dim3A_83 : vector<16xi32>
          %shift_right_logical3A = arith.constant 16 : i32
          %shift_right_logical3A_162 = vector.broadcast %shift_right_logical3A : i32 to vector<16xi32>
          %shift_right_logical3A_163 = arith.shrui %get3A_156, %shift_right_logical3A_162 : vector<16xi32>
          %and3A_164 = arith.andi %get3A_160, %broadcast_in_dim3A_83 : vector<16xi32>
          %sub3A_165 = arith.subi %and3A_161, %mul3A_79 : vector<16xi32>
          %mul3A_166 = arith.constant 1000 : i32
          %mul3A_167 = vector.broadcast %mul3A_166 : i32 to vector<16xi32>
          %mul3A_168 = arith.muli %sub3A_165, %mul3A_167 : vector<16xi32>
          %add3A_169 = arith.addi %mul3A_168, %shift_right_logical3A_163 : vector<16xi32>
          %bitcast3A = vector.bitcast %sub3A_165 : vector<16xi32> to vector<16xi32>
          %lt3A_170 = arith.cmpi ult, %bitcast3A, %broadcast_in_dim3A_81 : vector<16xi32>
          %sub3A_171 = arith.subi %shift_right_logical3A_163, %mul3A_79 : vector<16xi32>
          %mul3A_172 = arith.constant 1000 : i32
          %mul3A_173 = vector.broadcast %mul3A_172 : i32 to vector<16xi32>
          %mul3A_174 = arith.muli %sub3A_171, %mul3A_173 : vector<16xi32>
          %add3A_175 = arith.addi %mul3A_174, %and3A_164 : vector<16xi32>
          %bitcast3A_176 = vector.bitcast %sub3A_171 : vector<16xi32> to vector<16xi32>
          %lt3A_177 = arith.cmpi ult, %bitcast3A_176, %broadcast_in_dim3A_81 : vector<16xi32>
          %mul3A_178 = arith.constant 5 : i32
          %mul3A_179 = arith.muli %scan3A_149, %mul3A_178 : i32
          %add3A_180 = arith.constant 1 : i32
          %add3A_181 = arith.addi %mul3A_179, %add3A_180 : i32
          %mul3A_182 = arith.constant 16 : i32
          %mul3A_183 = arith.muli %add3A_181, %mul3A_182 : i32
          %get3A_184 = arith.index_cast %mul3A_183 : i32 to index
          %get3A_185 = tpu.vector_load %arg5[%get3A_184] {strides = array<i32>} : memref<2016xi32, #tpu.memory_space<vmem>>, vector<16xi32>,
          %add3A_186 = arith.constant 1 : i32
          %add3A_187 = arith.addi %mul3A_183, %add3A_186 : i32
          %get3A_188 = arith.index_cast %add3A_187 : i32 to index
          %get3A_189 = tpu.vector_load %arg5[%get3A_188] {strides = array<i32>} : memref<2016xi32, #tpu.memory_space<vmem>>, vector<16xi32>,
          %and3A_190 = arith.andi %get3A_185, %broadcast_in_dim3A_83 : vector<16xi32>
          %shift_right_logical3A_191 = arith.constant 16 : i32
          %shift_right_logical3A_192 = vector.broadcast %shift_right_logical3A_191 : i32 to vector<16xi32>
          %shift_right_logical3A_193 = arith.shrui %get3A_185, %shift_right_logical3A_192 : vector<16xi32>
          %and3A_194 = arith.andi %get3A_189, %broadcast_in_dim3A_83 : vector<16xi32>
          %sub3A_195 = arith.subi %and3A_190, %mul3A_79 : vector<16xi32>
          %mul3A_196 = arith.constant 1000 : i32
          %mul3A_197 = vector.broadcast %mul3A_196 : i32 to vector<16xi32>
          %mul3A_198 = arith.muli %sub3A_195, %mul3A_197 : vector<16xi32>
          %add3A_199 = arith.addi %mul3A_198, %shift_right_logical3A_193 : vector<16xi32>
          %bitcast3A_200 = vector.bitcast %sub3A_195 : vector<16xi32> to vector<16xi32>
          %lt3A_201 = arith.cmpi ult, %bitcast3A_200, %broadcast_in_dim3A_81 : vector<16xi32>
          %sub3A_202 = arith.subi %shift_right_logical3A_193, %mul3A_79 : vector<16xi32>
          %mul3A_203 = arith.constant 1000 : i32
          %mul3A_204 = vector.broadcast %mul3A_203 : i32 to vector<16xi32>
          %mul3A_205 = arith.muli %sub3A_202, %mul3A_204 : vector<16xi32>
          %add3A_206 = arith.addi %mul3A_205, %and3A_194 : vector<16xi32>
          %bitcast3A_207 = vector.bitcast %sub3A_202 : vector<16xi32> to vector<16xi32>
          %lt3A_208 = arith.cmpi ult, %bitcast3A_207, %broadcast_in_dim3A_81 : vector<16xi32>
          %mul3A_209 = arith.constant 5 : i32
          %mul3A_210 = arith.muli %scan3A_149, %mul3A_209 : i32
          %add3A_211 = arith.constant 2 : i32
          %add3A_212 = arith.addi %mul3A_210, %add3A_211 : i32
          %mul3A_213 = arith.constant 16 : i32
          %mul3A_214 = arith.muli %add3A_212, %mul3A_213 : i32
          %get3A_215 = arith.index_cast %mul3A_214 : i32 to index
          %get3A_216 = tpu.vector_load %arg5[%get3A_215] {strides = array<i32>} : memref<2016xi32, #tpu.memory_space<vmem>>, vector<16xi32>,
          %add3A_217 = arith.constant 1 : i32
          %add3A_218 = arith.addi %mul3A_214, %add3A_217 : i32
          %get3A_219 = arith.index_cast %add3A_218 : i32 to index
          %get3A_220 = tpu.vector_load %arg5[%get3A_219] {strides = array<i32>} : memref<2016xi32, #tpu.memory_space<vmem>>, vector<16xi32>,
          %and3A_221 = arith.andi %get3A_216, %broadcast_in_dim3A_83 : vector<16xi32>
          %shift_right_logical3A_222 = arith.constant 16 : i32
          %shift_right_logical3A_223 = vector.broadcast %shift_right_logical3A_222 : i32 to vector<16xi32>
          %shift_right_logical3A_224 = arith.shrui %get3A_216, %shift_right_logical3A_223 : vector<16xi32>
          %and3A_225 = arith.andi %get3A_220, %broadcast_in_dim3A_83 : vector<16xi32>
          %sub3A_226 = arith.subi %and3A_221, %mul3A_79 : vector<16xi32>
          %mul3A_227 = arith.constant 1000 : i32
          %mul3A_228 = vector.broadcast %mul3A_227 : i32 to vector<16xi32>
          %mul3A_229 = arith.muli %sub3A_226, %mul3A_228 : vector<16xi32>
          %add3A_230 = arith.addi %mul3A_229, %shift_right_logical3A_224 : vector<16xi32>
          %bitcast3A_231 = vector.bitcast %sub3A_226 : vector<16xi32> to vector<16xi32>
          %lt3A_232 = arith.cmpi ult, %bitcast3A_231, %broadcast_in_dim3A_81 : vector<16xi32>
          %sub3A_233 = arith.subi %shift_right_logical3A_224, %mul3A_79 : vector<16xi32>
          %mul3A_234 = arith.constant 1000 : i32
          %mul3A_235 = vector.broadcast %mul3A_234 : i32 to vector<16xi32>
          %mul3A_236 = arith.muli %sub3A_233, %mul3A_235 : vector<16xi32>
          %add3A_237 = arith.addi %mul3A_236, %and3A_225 : vector<16xi32>
          %bitcast3A_238 = vector.bitcast %sub3A_233 : vector<16xi32> to vector<16xi32>
          %lt3A_239 = arith.cmpi ult, %bitcast3A_238, %broadcast_in_dim3A_81 : vector<16xi32>
          %mul3A_240 = arith.constant 5 : i32
          %mul3A_241 = arith.muli %scan3A_149, %mul3A_240 : i32
          %add3A_242 = arith.constant 3 : i32
          %add3A_243 = arith.addi %mul3A_241, %add3A_242 : i32
          %mul3A_244 = arith.constant 16 : i32
          %mul3A_245 = arith.muli %add3A_243, %mul3A_244 : i32
          %get3A_246 = arith.index_cast %mul3A_245 : i32 to index
          %get3A_247 = tpu.vector_load %arg5[%get3A_246] {strides = array<i32>} : memref<2016xi32, #tpu.memory_space<vmem>>, vector<16xi32>,
          %add3A_248 = arith.constant 1 : i32
          %add3A_249 = arith.addi %mul3A_245, %add3A_248 : i32
          %get3A_250 = arith.index_cast %add3A_249 : i32 to index
          %get3A_251 = tpu.vector_load %arg5[%get3A_250] {strides = array<i32>} : memref<2016xi32, #tpu.memory_space<vmem>>, vector<16xi32>,
          %and3A_252 = arith.andi %get3A_247, %broadcast_in_dim3A_83 : vector<16xi32>
          %shift_right_logical3A_253 = arith.constant 16 : i32
          %shift_right_logical3A_254 = vector.broadcast %shift_right_logical3A_253 : i32 to vector<16xi32>
          %shift_right_logical3A_255 = arith.shrui %get3A_247, %shift_right_logical3A_254 : vector<16xi32>
          %and3A_256 = arith.andi %get3A_251, %broadcast_in_dim3A_83 : vector<16xi32>
          %sub3A_257 = arith.subi %and3A_252, %mul3A_79 : vector<16xi32>
          %mul3A_258 = arith.constant 1000 : i32
          %mul3A_259 = vector.broadcast %mul3A_258 : i32 to vector<16xi32>
          %mul3A_260 = arith.muli %sub3A_257, %mul3A_259 : vector<16xi32>
          %add3A_261 = arith.addi %mul3A_260, %shift_right_logical3A_255 : vector<16xi32>
          %bitcast3A_262 = vector.bitcast %sub3A_257 : vector<16xi32> to vector<16xi32>
          %lt3A_263 = arith.cmpi ult, %bitcast3A_262, %broadcast_in_dim3A_81 : vector<16xi32>
          %sub3A_264 = arith.subi %shift_right_logical3A_255, %mul3A_79 : vector<16xi32>
          %mul3A_265 = arith.constant 1000 : i32
          %mul3A_266 = vector.broadcast %mul3A_265 : i32 to vector<16xi32>
          %mul3A_267 = arith.muli %sub3A_264, %mul3A_266 : vector<16xi32>
          %add3A_268 = arith.addi %mul3A_267, %and3A_256 : vector<16xi32>
          %bitcast3A_269 = vector.bitcast %sub3A_264 : vector<16xi32> to vector<16xi32>
          %lt3A_270 = arith.cmpi ult, %bitcast3A_269, %broadcast_in_dim3A_81 : vector<16xi32>
          %mul3A_271 = arith.constant 5 : i32
          %mul3A_272 = arith.muli %scan3A_149, %mul3A_271 : i32
          %add3A_273 = arith.constant 4 : i32
          %add3A_274 = arith.addi %mul3A_272, %add3A_273 : i32
          %mul3A_275 = arith.constant 16 : i32
          %mul3A_276 = arith.muli %add3A_274, %mul3A_275 : i32
          %get3A_277 = arith.index_cast %mul3A_276 : i32 to index
          %get3A_278 = tpu.vector_load %arg5[%get3A_277] {strides = array<i32>} : memref<2016xi32, #tpu.memory_space<vmem>>, vector<16xi32>,
          %add3A_279 = arith.constant 1 : i32
          %add3A_280 = arith.addi %mul3A_276, %add3A_279 : i32
          %get3A_281 = arith.index_cast %add3A_280 : i32 to index
          %get3A_282 = tpu.vector_load %arg5[%get3A_281] {strides = array<i32>} : memref<2016xi32, #tpu.memory_space<vmem>>, vector<16xi32>,
          %and3A_283 = arith.andi %get3A_278, %broadcast_in_dim3A_83 : vector<16xi32>
          %shift_right_logical3A_284 = arith.constant 16 : i32
          %shift_right_logical3A_285 = vector.broadcast %shift_right_logical3A_284 : i32 to vector<16xi32>
          %shift_right_logical3A_286 = arith.shrui %get3A_278, %shift_right_logical3A_285 : vector<16xi32>
          %and3A_287 = arith.andi %get3A_282, %broadcast_in_dim3A_83 : vector<16xi32>
          %sub3A_288 = arith.subi %and3A_283, %mul3A_79 : vector<16xi32>
          %mul3A_289 = arith.constant 1000 : i32
          %mul3A_290 = vector.broadcast %mul3A_289 : i32 to vector<16xi32>
          %mul3A_291 = arith.muli %sub3A_288, %mul3A_290 : vector<16xi32>
          %add3A_292 = arith.addi %mul3A_291, %shift_right_logical3A_286 : vector<16xi32>
          %bitcast3A_293 = vector.bitcast %sub3A_288 : vector<16xi32> to vector<16xi32>
          %lt3A_294 = arith.cmpi ult, %bitcast3A_293, %broadcast_in_dim3A_81 : vector<16xi32>
          %sub3A_295 = arith.subi %shift_right_logical3A_286, %mul3A_79 : vector<16xi32>
          %mul3A_296 = arith.constant 1000 : i32
          %mul3A_297 = vector.broadcast %mul3A_296 : i32 to vector<16xi32>
          %mul3A_298 = arith.muli %sub3A_295, %mul3A_297 : vector<16xi32>
          %add3A_299 = arith.addi %mul3A_298, %and3A_287 : vector<16xi32>
          %bitcast3A_300 = vector.bitcast %sub3A_295 : vector<16xi32> to vector<16xi32>
          %lt3A_301 = arith.cmpi ult, %bitcast3A_300, %broadcast_in_dim3A_81 : vector<16xi32>
          tpu.vector_store_idx %arg4[%add3A_169], %broadcast_in_dim3A_75 masked %lt3A_170 {add = true} : memref<125008xf32, #tpu.memory_space<vmem>>[vector<16xi32>], vector<16xf32>, vector<16xi1>
          tpu.vector_store_idx %arg4[%add3A_175], %broadcast_in_dim3A_75 masked %lt3A_177 {add = true} : memref<125008xf32, #tpu.memory_space<vmem>>[vector<16xi32>], vector<16xf32>, vector<16xi1>
          tpu.vector_store_idx %arg4[%add3A_199], %broadcast_in_dim3A_75 masked %lt3A_201 {add = true} : memref<125008xf32, #tpu.memory_space<vmem>>[vector<16xi32>], vector<16xf32>, vector<16xi1>
          tpu.vector_store_idx %arg4[%add3A_206], %broadcast_in_dim3A_75 masked %lt3A_208 {add = true} : memref<125008xf32, #tpu.memory_space<vmem>>[vector<16xi32>], vector<16xf32>, vector<16xi1>
          tpu.vector_store_idx %arg4[%add3A_230], %broadcast_in_dim3A_75 masked %lt3A_232 {add = true} : memref<125008xf32, #tpu.memory_space<vmem>>[vector<16xi32>], vector<16xf32>, vector<16xi1>
          tpu.vector_store_idx %arg4[%add3A_237], %broadcast_in_dim3A_75 masked %lt3A_239 {add = true} : memref<125008xf32, #tpu.memory_space<vmem>>[vector<16xi32>], vector<16xf32>, vector<16xi1>
          tpu.vector_store_idx %arg4[%add3A_261], %broadcast_in_dim3A_75 masked %lt3A_263 {add = true} : memref<125008xf32, #tpu.memory_space<vmem>>[vector<16xi32>], vector<16xf32>, vector<16xi1>
          tpu.vector_store_idx %arg4[%add3A_268], %broadcast_in_dim3A_75 masked %lt3A_270 {add = true} : memref<125008xf32, #tpu.memory_space<vmem>>[vector<16xi32>], vector<16xf32>, vector<16xi1>
          tpu.vector_store_idx %arg4[%add3A_292], %broadcast_in_dim3A_75 masked %lt3A_294 {add = true} : memref<125008xf32, #tpu.memory_space<vmem>>[vector<16xi32>], vector<16xf32>, vector<16xi1>
          tpu.vector_store_idx %arg4[%add3A_299], %broadcast_in_dim3A_75 masked %lt3A_301 {add = true} : memref<125008xf32, #tpu.memory_space<vmem>>[vector<16xi32>], vector<16xf32>, vector<16xi1>
        }
        %scan3A_141 = arith.constant 25 : i32
        %add3A_142 = arith.constant 3 : i32
        %add3A_143 = arith.addi %add3A_99, %add3A_142 : i32
        %lt3A_144 = arith.constant 125 : i32
        %lt3A_145 = arith.cmpi slt, %add3A_143, %lt3A_144 : i32
        %convert_element_type3A_146 = arith.extui %lt3A_145 : i1 to i32
        %cond3A_147 = arith.constant 0 : i32
        %cond3A_148 = arith.cmpi ne, %convert_element_type3A_146, %cond3A_147 : i32
        scf.if %cond3A_148 {
          %add3A_149 = arith.constant 3 : i32
          %add3A_150 = arith.addi %add3A_99, %add3A_149 : i32
          %eq3A_151 = arith.constant 3 : i32
          %eq3A_152 = arith.cmpi eq, %add3A_30, %eq3A_151 : i32
          %eq3A_153 = arith.constant 124 : i32
          %eq3A_154 = arith.cmpi eq, %add3A_150, %eq3A_153 : i32
          %and3A_155 = arith.andi %eq3A_152, %eq3A_154 : i1
          %convert_element_type3A_156 = arith.extui %and3A_155 : i1 to i32
          %cond3A_157 = arith.constant 0 : i32
          %cond3A_158 = arith.cmpi ne, %convert_element_type3A_156, %cond3A_157 : i32
          scf.if %cond3A_158 {
            %mul3A_164 = arith.constant 2000 : i32
            %mul3A_165 = arith.muli %add3A_150, %mul3A_164 : i32
            %add3A_166 = arith.addi %mul3A_34, %mul3A_165 : i32
            %dma_start3A = arith.constant 0 : i32
            %dma_start3A_167 = tpu.memref_slice %arg5[%dma_start3A] : memref<2016xi32, #tpu.memory_space<vmem>> -> memref<2000xi32, #tpu.memory_space<vmem>>
            %dma_start3A_168 = tpu.memref_slice %arg2[%add3A_166] : memref<1000000xi32, #tpu.memory_space<hbm>> -> memref<2000xi32, #tpu.memory_space<hbm>>
            %dma_start3A_169 = arith.constant 0 : i32
            %dma_start3A_170 = tpu.memref_slice %arg5[%dma_start3A_169] : memref<2016xi32, #tpu.memory_space<vmem>> -> memref<2000xi32, #tpu.memory_space<vmem>>
            %dma_start3A_171 = tpu.memref_slice %arg2[%add3A_166] : memref<1000000xi32, #tpu.memory_space<hbm>> -> memref<2000xi32, #tpu.memory_space<hbm>>
            tpu.enqueue_dma source(%dma_start3A_171 : memref<2000xi32, #tpu.memory_space<hbm>>) target(%dma_start3A_170 : memref<2000xi32, #tpu.memory_space<vmem>>) target_semaphore(%arg8 : memref<!tpu.dma_semaphore, #tpu.memory_space<semaphore_mem>>)
          } else {
          }
          %not3A_159 = arith.constant true
          %not3A_160 = arith.xori %and3A_155, %not3A_159 : i1
          %convert_element_type3A_161 = arith.extui %not3A_160 : i1 to i32
          %cond3A_162 = arith.constant 0 : i32
          %cond3A_163 = arith.cmpi ne, %convert_element_type3A_161, %cond3A_162 : i32
          scf.if %cond3A_163 {
            %mul3A_164 = arith.constant 2000 : i32
            %mul3A_165 = arith.muli %add3A_150, %mul3A_164 : i32
            %add3A_166 = arith.addi %mul3A_34, %mul3A_165 : i32
            %dma_start3A = tpu.memref_slice %arg2[%add3A_166] : memref<1000000xi32, #tpu.memory_space<hbm>> -> memref<2016xi32, #tpu.memory_space<hbm>>
            %dma_start3A_167 = tpu.memref_slice %arg2[%add3A_166] : memref<1000000xi32, #tpu.memory_space<hbm>> -> memref<2016xi32, #tpu.memory_space<hbm>>
            tpu.enqueue_dma source(%dma_start3A_167 : memref<2016xi32, #tpu.memory_space<hbm>>) target(%arg5 : memref<2016xi32, #tpu.memory_space<vmem>>) target_semaphore(%arg8 : memref<!tpu.dma_semaphore, #tpu.memory_space<semaphore_mem>>)
          } else {
          }
        } else {
        }
      } else {
      }
      %mul3A_105 = arith.constant 3 : i32
      %mul3A_106 = arith.muli %mul3A_105, %scan3A_95 : i32
      %add3A_107 = arith.constant 1 : i32
      %add3A_108 = arith.addi %mul3A_106, %add3A_107 : i32
      %lt3A_109 = arith.constant 125 : i32
      %lt3A_110 = arith.cmpi slt, %add3A_108, %lt3A_109 : i32
      %convert_element_type3A_111 = arith.extui %lt3A_110 : i1 to i32
      %cond3A_112 = arith.constant 0 : i32
      %cond3A_113 = arith.cmpi ne, %convert_element_type3A_111, %cond3A_112 : i32
      scf.if %cond3A_113 {
        %eq3A_123 = arith.constant 3 : i32
        %eq3A_124 = arith.cmpi eq, %add3A_30, %eq3A_123 : i32
        %eq3A_125 = arith.constant 124 : i32
        %eq3A_126 = arith.cmpi eq, %add3A_108, %eq3A_125 : i32
        %and3A_127 = arith.andi %eq3A_124, %eq3A_126 : i1
        %convert_element_type3A_128 = arith.extui %and3A_127 : i1 to i32
        %cond3A_129 = arith.constant 0 : i32
        %cond3A_130 = arith.cmpi ne, %convert_element_type3A_128, %cond3A_129 : i32
        scf.if %cond3A_130 {
          %mul3A_149 = arith.constant 2000 : i32
          %mul3A_150 = arith.muli %add3A_108, %mul3A_149 : i32
          %add3A_151 = arith.addi %mul3A_34, %mul3A_150 : i32
          %dma_wait3A = arith.constant 0 : i32
          %dma_wait3A_152 = tpu.memref_slice %arg6[%dma_wait3A] : memref<2016xi32, #tpu.memory_space<vmem>> -> memref<2000xi32, #tpu.memory_space<vmem>>
          %dma_wait3A_153 = tpu.memref_slice %arg2[%add3A_151] : memref<1000000xi32, #tpu.memory_space<hbm>> -> memref<2000xi32, #tpu.memory_space<hbm>>
          %dma_wait3A_154 = arith.constant 0 : i32
          %dma_wait3A_155 = tpu.memref_slice %arg6[%dma_wait3A_154] : memref<2016xi32, #tpu.memory_space<vmem>> -> memref<2000xi32, #tpu.memory_space<vmem>>
          %dma_wait3A_156 = tpu.memref_slice %arg2[%add3A_151] : memref<1000000xi32, #tpu.memory_space<hbm>> -> memref<2000xi32, #tpu.memory_space<hbm>>
          tpu.wait_dma2 semaphore(%arg9 : memref<!tpu.dma_semaphore, #tpu.memory_space<semaphore_mem>>) src(%dma_wait3A_156 : memref<2000xi32, #tpu.memory_space<hbm>>) dst(%dma_wait3A_155 : memref<2000xi32, #tpu.memory_space<vmem>>)
        } else {
        }
        %not3A_131 = arith.constant true
        %not3A_132 = arith.xori %and3A_127, %not3A_131 : i1
        %convert_element_type3A_133 = arith.extui %not3A_132 : i1 to i32
        %cond3A_134 = arith.constant 0 : i32
        %cond3A_135 = arith.cmpi ne, %convert_element_type3A_133, %cond3A_134 : i32
        scf.if %cond3A_135 {
          %mul3A_149 = arith.constant 2000 : i32
          %mul3A_150 = arith.muli %add3A_108, %mul3A_149 : i32
          %add3A_151 = arith.addi %mul3A_34, %mul3A_150 : i32
          %dma_wait3A = tpu.memref_slice %arg2[%add3A_151] : memref<1000000xi32, #tpu.memory_space<hbm>> -> memref<2016xi32, #tpu.memory_space<hbm>>
          %dma_wait3A_152 = tpu.memref_slice %arg2[%add3A_151] : memref<1000000xi32, #tpu.memory_space<hbm>> -> memref<2016xi32, #tpu.memory_space<hbm>>
          tpu.wait_dma2 semaphore(%arg9 : memref<!tpu.dma_semaphore, #tpu.memory_space<semaphore_mem>>) src(%dma_wait3A_152 : memref<2016xi32, #tpu.memory_space<hbm>>) dst(%arg6 : memref<2016xi32, #tpu.memory_space<vmem>>)
        } else {
        }
        %scan3A_136 = arith.constant 0 : i32
        %scan3A_137 = arith.constant 0 : i32
        %scan3A_138 = arith.constant 25 : i32
        %scan3A_139 = arith.addi %scan3A_137, %scan3A_138 : i32
        %scan3A_140 = arith.constant 1 : i32
        scf.for %scan3A_149 = %scan3A_137 to %scan3A_139 step %scan3A_140  : i32 {
          %mul3A_150 = arith.constant 5 : i32
          %mul3A_151 = arith.muli %scan3A_149, %mul3A_150 : i32
          %add3A_152 = arith.constant 0 : i32
          %add3A_153 = arith.addi %mul3A_151, %add3A_152 : i32
          %mul3A_154 = arith.constant 16 : i32
          %mul3A_155 = arith.muli %add3A_153, %mul3A_154 : i32
          %get3A = arith.index_cast %mul3A_155 : i32 to index
          %get3A_156 = tpu.vector_load %arg6[%get3A] {strides = array<i32>} : memref<2016xi32, #tpu.memory_space<vmem>>, vector<16xi32>,
          %add3A_157 = arith.constant 1 : i32
          %add3A_158 = arith.addi %mul3A_155, %add3A_157 : i32
          %get3A_159 = arith.index_cast %add3A_158 : i32 to index
          %get3A_160 = tpu.vector_load %arg6[%get3A_159] {strides = array<i32>} : memref<2016xi32, #tpu.memory_space<vmem>>, vector<16xi32>,
          %and3A_161 = arith.andi %get3A_156, %broadcast_in_dim3A_83 : vector<16xi32>
          %shift_right_logical3A = arith.constant 16 : i32
          %shift_right_logical3A_162 = vector.broadcast %shift_right_logical3A : i32 to vector<16xi32>
          %shift_right_logical3A_163 = arith.shrui %get3A_156, %shift_right_logical3A_162 : vector<16xi32>
          %and3A_164 = arith.andi %get3A_160, %broadcast_in_dim3A_83 : vector<16xi32>
          %sub3A_165 = arith.subi %and3A_161, %mul3A_79 : vector<16xi32>
          %mul3A_166 = arith.constant 1000 : i32
          %mul3A_167 = vector.broadcast %mul3A_166 : i32 to vector<16xi32>
          %mul3A_168 = arith.muli %sub3A_165, %mul3A_167 : vector<16xi32>
          %add3A_169 = arith.addi %mul3A_168, %shift_right_logical3A_163 : vector<16xi32>
          %bitcast3A = vector.bitcast %sub3A_165 : vector<16xi32> to vector<16xi32>
          %lt3A_170 = arith.cmpi ult, %bitcast3A, %broadcast_in_dim3A_81 : vector<16xi32>
          %sub3A_171 = arith.subi %shift_right_logical3A_163, %mul3A_79 : vector<16xi32>
          %mul3A_172 = arith.constant 1000 : i32
          %mul3A_173 = vector.broadcast %mul3A_172 : i32 to vector<16xi32>
          %mul3A_174 = arith.muli %sub3A_171, %mul3A_173 : vector<16xi32>
          %add3A_175 = arith.addi %mul3A_174, %and3A_164 : vector<16xi32>
          %bitcast3A_176 = vector.bitcast %sub3A_171 : vector<16xi32> to vector<16xi32>
          %lt3A_177 = arith.cmpi ult, %bitcast3A_176, %broadcast_in_dim3A_81 : vector<16xi32>
          %mul3A_178 = arith.constant 5 : i32
          %mul3A_179 = arith.muli %scan3A_149, %mul3A_178 : i32
          %add3A_180 = arith.constant 1 : i32
          %add3A_181 = arith.addi %mul3A_179, %add3A_180 : i32
          %mul3A_182 = arith.constant 16 : i32
          %mul3A_183 = arith.muli %add3A_181, %mul3A_182 : i32
          %get3A_184 = arith.index_cast %mul3A_183 : i32 to index
          %get3A_185 = tpu.vector_load %arg6[%get3A_184] {strides = array<i32>} : memref<2016xi32, #tpu.memory_space<vmem>>, vector<16xi32>,
          %add3A_186 = arith.constant 1 : i32
          %add3A_187 = arith.addi %mul3A_183, %add3A_186 : i32
          %get3A_188 = arith.index_cast %add3A_187 : i32 to index
          %get3A_189 = tpu.vector_load %arg6[%get3A_188] {strides = array<i32>} : memref<2016xi32, #tpu.memory_space<vmem>>, vector<16xi32>,
          %and3A_190 = arith.andi %get3A_185, %broadcast_in_dim3A_83 : vector<16xi32>
          %shift_right_logical3A_191 = arith.constant 16 : i32
          %shift_right_logical3A_192 = vector.broadcast %shift_right_logical3A_191 : i32 to vector<16xi32>
          %shift_right_logical3A_193 = arith.shrui %get3A_185, %shift_right_logical3A_192 : vector<16xi32>
          %and3A_194 = arith.andi %get3A_189, %broadcast_in_dim3A_83 : vector<16xi32>
          %sub3A_195 = arith.subi %and3A_190, %mul3A_79 : vector<16xi32>
          %mul3A_196 = arith.constant 1000 : i32
          %mul3A_197 = vector.broadcast %mul3A_196 : i32 to vector<16xi32>
          %mul3A_198 = arith.muli %sub3A_195, %mul3A_197 : vector<16xi32>
          %add3A_199 = arith.addi %mul3A_198, %shift_right_logical3A_193 : vector<16xi32>
          %bitcast3A_200 = vector.bitcast %sub3A_195 : vector<16xi32> to vector<16xi32>
          %lt3A_201 = arith.cmpi ult, %bitcast3A_200, %broadcast_in_dim3A_81 : vector<16xi32>
          %sub3A_202 = arith.subi %shift_right_logical3A_193, %mul3A_79 : vector<16xi32>
          %mul3A_203 = arith.constant 1000 : i32
          %mul3A_204 = vector.broadcast %mul3A_203 : i32 to vector<16xi32>
          %mul3A_205 = arith.muli %sub3A_202, %mul3A_204 : vector<16xi32>
          %add3A_206 = arith.addi %mul3A_205, %and3A_194 : vector<16xi32>
          %bitcast3A_207 = vector.bitcast %sub3A_202 : vector<16xi32> to vector<16xi32>
          %lt3A_208 = arith.cmpi ult, %bitcast3A_207, %broadcast_in_dim3A_81 : vector<16xi32>
          %mul3A_209 = arith.constant 5 : i32
          %mul3A_210 = arith.muli %scan3A_149, %mul3A_209 : i32
          %add3A_211 = arith.constant 2 : i32
          %add3A_212 = arith.addi %mul3A_210, %add3A_211 : i32
          %mul3A_213 = arith.constant 16 : i32
          %mul3A_214 = arith.muli %add3A_212, %mul3A_213 : i32
          %get3A_215 = arith.index_cast %mul3A_214 : i32 to index
          %get3A_216 = tpu.vector_load %arg6[%get3A_215] {strides = array<i32>} : memref<2016xi32, #tpu.memory_space<vmem>>, vector<16xi32>,
          %add3A_217 = arith.constant 1 : i32
          %add3A_218 = arith.addi %mul3A_214, %add3A_217 : i32
          %get3A_219 = arith.index_cast %add3A_218 : i32 to index
          %get3A_220 = tpu.vector_load %arg6[%get3A_219] {strides = array<i32>} : memref<2016xi32, #tpu.memory_space<vmem>>, vector<16xi32>,
          %and3A_221 = arith.andi %get3A_216, %broadcast_in_dim3A_83 : vector<16xi32>
          %shift_right_logical3A_222 = arith.constant 16 : i32
          %shift_right_logical3A_223 = vector.broadcast %shift_right_logical3A_222 : i32 to vector<16xi32>
          %shift_right_logical3A_224 = arith.shrui %get3A_216, %shift_right_logical3A_223 : vector<16xi32>
          %and3A_225 = arith.andi %get3A_220, %broadcast_in_dim3A_83 : vector<16xi32>
          %sub3A_226 = arith.subi %and3A_221, %mul3A_79 : vector<16xi32>
          %mul3A_227 = arith.constant 1000 : i32
          %mul3A_228 = vector.broadcast %mul3A_227 : i32 to vector<16xi32>
          %mul3A_229 = arith.muli %sub3A_226, %mul3A_228 : vector<16xi32>
          %add3A_230 = arith.addi %mul3A_229, %shift_right_logical3A_224 : vector<16xi32>
          %bitcast3A_231 = vector.bitcast %sub3A_226 : vector<16xi32> to vector<16xi32>
          %lt3A_232 = arith.cmpi ult, %bitcast3A_231, %broadcast_in_dim3A_81 : vector<16xi32>
          %sub3A_233 = arith.subi %shift_right_logical3A_224, %mul3A_79 : vector<16xi32>
          %mul3A_234 = arith.constant 1000 : i32
          %mul3A_235 = vector.broadcast %mul3A_234 : i32 to vector<16xi32>
          %mul3A_236 = arith.muli %sub3A_233, %mul3A_235 : vector<16xi32>
          %add3A_237 = arith.addi %mul3A_236, %and3A_225 : vector<16xi32>
          %bitcast3A_238 = vector.bitcast %sub3A_233 : vector<16xi32> to vector<16xi32>
          %lt3A_239 = arith.cmpi ult, %bitcast3A_238, %broadcast_in_dim3A_81 : vector<16xi32>
          %mul3A_240 = arith.constant 5 : i32
          %mul3A_241 = arith.muli %scan3A_149, %mul3A_240 : i32
          %add3A_242 = arith.constant 3 : i32
          %add3A_243 = arith.addi %mul3A_241, %add3A_242 : i32
          %mul3A_244 = arith.constant 16 : i32
          %mul3A_245 = arith.muli %add3A_243, %mul3A_244 : i32
          %get3A_246 = arith.index_cast %mul3A_245 : i32 to index
          %get3A_247 = tpu.vector_load %arg6[%get3A_246] {strides = array<i32>} : memref<2016xi32, #tpu.memory_space<vmem>>, vector<16xi32>,
          %add3A_248 = arith.constant 1 : i32
          %add3A_249 = arith.addi %mul3A_245, %add3A_248 : i32
          %get3A_250 = arith.index_cast %add3A_249 : i32 to index
          %get3A_251 = tpu.vector_load %arg6[%get3A_250] {strides = array<i32>} : memref<2016xi32, #tpu.memory_space<vmem>>, vector<16xi32>,
          %and3A_252 = arith.andi %get3A_247, %broadcast_in_dim3A_83 : vector<16xi32>
          %shift_right_logical3A_253 = arith.constant 16 : i32
          %shift_right_logical3A_254 = vector.broadcast %shift_right_logical3A_253 : i32 to vector<16xi32>
          %shift_right_logical3A_255 = arith.shrui %get3A_247, %shift_right_logical3A_254 : vector<16xi32>
          %and3A_256 = arith.andi %get3A_251, %broadcast_in_dim3A_83 : vector<16xi32>
          %sub3A_257 = arith.subi %and3A_252, %mul3A_79 : vector<16xi32>
          %mul3A_258 = arith.constant 1000 : i32
          %mul3A_259 = vector.broadcast %mul3A_258 : i32 to vector<16xi32>
          %mul3A_260 = arith.muli %sub3A_257, %mul3A_259 : vector<16xi32>
          %add3A_261 = arith.addi %mul3A_260, %shift_right_logical3A_255 : vector<16xi32>
          %bitcast3A_262 = vector.bitcast %sub3A_257 : vector<16xi32> to vector<16xi32>
          %lt3A_263 = arith.cmpi ult, %bitcast3A_262, %broadcast_in_dim3A_81 : vector<16xi32>
          %sub3A_264 = arith.subi %shift_right_logical3A_255, %mul3A_79 : vector<16xi32>
          %mul3A_265 = arith.constant 1000 : i32
          %mul3A_266 = vector.broadcast %mul3A_265 : i32 to vector<16xi32>
          %mul3A_267 = arith.muli %sub3A_264, %mul3A_266 : vector<16xi32>
          %add3A_268 = arith.addi %mul3A_267, %and3A_256 : vector<16xi32>
          %bitcast3A_269 = vector.bitcast %sub3A_264 : vector<16xi32> to vector<16xi32>
          %lt3A_270 = arith.cmpi ult, %bitcast3A_269, %broadcast_in_dim3A_81 : vector<16xi32>
          %mul3A_271 = arith.constant 5 : i32
          %mul3A_272 = arith.muli %scan3A_149, %mul3A_271 : i32
          %add3A_273 = arith.constant 4 : i32
          %add3A_274 = arith.addi %mul3A_272, %add3A_273 : i32
          %mul3A_275 = arith.constant 16 : i32
          %mul3A_276 = arith.muli %add3A_274, %mul3A_275 : i32
          %get3A_277 = arith.index_cast %mul3A_276 : i32 to index
          %get3A_278 = tpu.vector_load %arg6[%get3A_277] {strides = array<i32>} : memref<2016xi32, #tpu.memory_space<vmem>>, vector<16xi32>,
          %add3A_279 = arith.constant 1 : i32
          %add3A_280 = arith.addi %mul3A_276, %add3A_279 : i32
          %get3A_281 = arith.index_cast %add3A_280 : i32 to index
          %get3A_282 = tpu.vector_load %arg6[%get3A_281] {strides = array<i32>} : memref<2016xi32, #tpu.memory_space<vmem>>, vector<16xi32>,
          %and3A_283 = arith.andi %get3A_278, %broadcast_in_dim3A_83 : vector<16xi32>
          %shift_right_logical3A_284 = arith.constant 16 : i32
          %shift_right_logical3A_285 = vector.broadcast %shift_right_logical3A_284 : i32 to vector<16xi32>
          %shift_right_logical3A_286 = arith.shrui %get3A_278, %shift_right_logical3A_285 : vector<16xi32>
          %and3A_287 = arith.andi %get3A_282, %broadcast_in_dim3A_83 : vector<16xi32>
          %sub3A_288 = arith.subi %and3A_283, %mul3A_79 : vector<16xi32>
          %mul3A_289 = arith.constant 1000 : i32
          %mul3A_290 = vector.broadcast %mul3A_289 : i32 to vector<16xi32>
          %mul3A_291 = arith.muli %sub3A_288, %mul3A_290 : vector<16xi32>
          %add3A_292 = arith.addi %mul3A_291, %shift_right_logical3A_286 : vector<16xi32>
          %bitcast3A_293 = vector.bitcast %sub3A_288 : vector<16xi32> to vector<16xi32>
          %lt3A_294 = arith.cmpi ult, %bitcast3A_293, %broadcast_in_dim3A_81 : vector<16xi32>
          %sub3A_295 = arith.subi %shift_right_logical3A_286, %mul3A_79 : vector<16xi32>
          %mul3A_296 = arith.constant 1000 : i32
          %mul3A_297 = vector.broadcast %mul3A_296 : i32 to vector<16xi32>
          %mul3A_298 = arith.muli %sub3A_295, %mul3A_297 : vector<16xi32>
          %add3A_299 = arith.addi %mul3A_298, %and3A_287 : vector<16xi32>
          %bitcast3A_300 = vector.bitcast %sub3A_295 : vector<16xi32> to vector<16xi32>
          %lt3A_301 = arith.cmpi ult, %bitcast3A_300, %broadcast_in_dim3A_81 : vector<16xi32>
          tpu.vector_store_idx %arg4[%add3A_169], %broadcast_in_dim3A_75 masked %lt3A_170 {add = true} : memref<125008xf32, #tpu.memory_space<vmem>>[vector<16xi32>], vector<16xf32>, vector<16xi1>
          tpu.vector_store_idx %arg4[%add3A_175], %broadcast_in_dim3A_75 masked %lt3A_177 {add = true} : memref<125008xf32, #tpu.memory_space<vmem>>[vector<16xi32>], vector<16xf32>, vector<16xi1>
          tpu.vector_store_idx %arg4[%add3A_199], %broadcast_in_dim3A_75 masked %lt3A_201 {add = true} : memref<125008xf32, #tpu.memory_space<vmem>>[vector<16xi32>], vector<16xf32>, vector<16xi1>
          tpu.vector_store_idx %arg4[%add3A_206], %broadcast_in_dim3A_75 masked %lt3A_208 {add = true} : memref<125008xf32, #tpu.memory_space<vmem>>[vector<16xi32>], vector<16xf32>, vector<16xi1>
          tpu.vector_store_idx %arg4[%add3A_230], %broadcast_in_dim3A_75 masked %lt3A_232 {add = true} : memref<125008xf32, #tpu.memory_space<vmem>>[vector<16xi32>], vector<16xf32>, vector<16xi1>
          tpu.vector_store_idx %arg4[%add3A_237], %broadcast_in_dim3A_75 masked %lt3A_239 {add = true} : memref<125008xf32, #tpu.memory_space<vmem>>[vector<16xi32>], vector<16xf32>, vector<16xi1>
          tpu.vector_store_idx %arg4[%add3A_261], %broadcast_in_dim3A_75 masked %lt3A_263 {add = true} : memref<125008xf32, #tpu.memory_space<vmem>>[vector<16xi32>], vector<16xf32>, vector<16xi1>
          tpu.vector_store_idx %arg4[%add3A_268], %broadcast_in_dim3A_75 masked %lt3A_270 {add = true} : memref<125008xf32, #tpu.memory_space<vmem>>[vector<16xi32>], vector<16xf32>, vector<16xi1>
          tpu.vector_store_idx %arg4[%add3A_292], %broadcast_in_dim3A_75 masked %lt3A_294 {add = true} : memref<125008xf32, #tpu.memory_space<vmem>>[vector<16xi32>], vector<16xf32>, vector<16xi1>
          tpu.vector_store_idx %arg4[%add3A_299], %broadcast_in_dim3A_75 masked %lt3A_301 {add = true} : memref<125008xf32, #tpu.memory_space<vmem>>[vector<16xi32>], vector<16xf32>, vector<16xi1>
        }
        %scan3A_141 = arith.constant 25 : i32
        %add3A_142 = arith.constant 3 : i32
        %add3A_143 = arith.addi %add3A_108, %add3A_142 : i32
        %lt3A_144 = arith.constant 125 : i32
        %lt3A_145 = arith.cmpi slt, %add3A_143, %lt3A_144 : i32
        %convert_element_type3A_146 = arith.extui %lt3A_145 : i1 to i32
        %cond3A_147 = arith.constant 0 : i32
        %cond3A_148 = arith.cmpi ne, %convert_element_type3A_146, %cond3A_147 : i32
        scf.if %cond3A_148 {
          %add3A_149 = arith.constant 3 : i32
          %add3A_150 = arith.addi %add3A_108, %add3A_149 : i32
          %eq3A_151 = arith.constant 3 : i32
          %eq3A_152 = arith.cmpi eq, %add3A_30, %eq3A_151 : i32
          %eq3A_153 = arith.constant 124 : i32
          %eq3A_154 = arith.cmpi eq, %add3A_150, %eq3A_153 : i32
          %and3A_155 = arith.andi %eq3A_152, %eq3A_154 : i1
          %convert_element_type3A_156 = arith.extui %and3A_155 : i1 to i32
          %cond3A_157 = arith.constant 0 : i32
          %cond3A_158 = arith.cmpi ne, %convert_element_type3A_156, %cond3A_157 : i32
          scf.if %cond3A_158 {
            %mul3A_164 = arith.constant 2000 : i32
            %mul3A_165 = arith.muli %add3A_150, %mul3A_164 : i32
            %add3A_166 = arith.addi %mul3A_34, %mul3A_165 : i32
            %dma_start3A = arith.constant 0 : i32
            %dma_start3A_167 = tpu.memref_slice %arg6[%dma_start3A] : memref<2016xi32, #tpu.memory_space<vmem>> -> memref<2000xi32, #tpu.memory_space<vmem>>
            %dma_start3A_168 = tpu.memref_slice %arg2[%add3A_166] : memref<1000000xi32, #tpu.memory_space<hbm>> -> memref<2000xi32, #tpu.memory_space<hbm>>
            %dma_start3A_169 = arith.constant 0 : i32
            %dma_start3A_170 = tpu.memref_slice %arg6[%dma_start3A_169] : memref<2016xi32, #tpu.memory_space<vmem>> -> memref<2000xi32, #tpu.memory_space<vmem>>
            %dma_start3A_171 = tpu.memref_slice %arg2[%add3A_166] : memref<1000000xi32, #tpu.memory_space<hbm>> -> memref<2000xi32, #tpu.memory_space<hbm>>
            tpu.enqueue_dma source(%dma_start3A_171 : memref<2000xi32, #tpu.memory_space<hbm>>) target(%dma_start3A_170 : memref<2000xi32, #tpu.memory_space<vmem>>) target_semaphore(%arg9 : memref<!tpu.dma_semaphore, #tpu.memory_space<semaphore_mem>>)
          } else {
          }
          %not3A_159 = arith.constant true
          %not3A_160 = arith.xori %and3A_155, %not3A_159 : i1
          %convert_element_type3A_161 = arith.extui %not3A_160 : i1 to i32
          %cond3A_162 = arith.constant 0 : i32
          %cond3A_163 = arith.cmpi ne, %convert_element_type3A_161, %cond3A_162 : i32
          scf.if %cond3A_163 {
            %mul3A_164 = arith.constant 2000 : i32
            %mul3A_165 = arith.muli %add3A_150, %mul3A_164 : i32
            %add3A_166 = arith.addi %mul3A_34, %mul3A_165 : i32
            %dma_start3A = tpu.memref_slice %arg2[%add3A_166] : memref<1000000xi32, #tpu.memory_space<hbm>> -> memref<2016xi32, #tpu.memory_space<hbm>>
            %dma_start3A_167 = tpu.memref_slice %arg2[%add3A_166] : memref<1000000xi32, #tpu.memory_space<hbm>> -> memref<2016xi32, #tpu.memory_space<hbm>>
            tpu.enqueue_dma source(%dma_start3A_167 : memref<2016xi32, #tpu.memory_space<hbm>>) target(%arg6 : memref<2016xi32, #tpu.memory_space<vmem>>) target_semaphore(%arg9 : memref<!tpu.dma_semaphore, #tpu.memory_space<semaphore_mem>>)
          } else {
          }
        } else {
        }
      } else {
      }
      %mul3A_114 = arith.constant 3 : i32
      %mul3A_115 = arith.muli %mul3A_114, %scan3A_95 : i32
      %add3A_116 = arith.constant 2 : i32
      %add3A_117 = arith.addi %mul3A_115, %add3A_116 : i32
      %lt3A_118 = arith.constant 125 : i32
      %lt3A_119 = arith.cmpi slt, %add3A_117, %lt3A_118 : i32
      %convert_element_type3A_120 = arith.extui %lt3A_119 : i1 to i32
      %cond3A_121 = arith.constant 0 : i32
      %cond3A_122 = arith.cmpi ne, %convert_element_type3A_120, %cond3A_121 : i32
      scf.if %cond3A_122 {
        %eq3A_123 = arith.constant 3 : i32
        %eq3A_124 = arith.cmpi eq, %add3A_30, %eq3A_123 : i32
        %eq3A_125 = arith.constant 124 : i32
        %eq3A_126 = arith.cmpi eq, %add3A_117, %eq3A_125 : i32
        %and3A_127 = arith.andi %eq3A_124, %eq3A_126 : i1
        %convert_element_type3A_128 = arith.extui %and3A_127 : i1 to i32
        %cond3A_129 = arith.constant 0 : i32
        %cond3A_130 = arith.cmpi ne, %convert_element_type3A_128, %cond3A_129 : i32
        scf.if %cond3A_130 {
          %mul3A_149 = arith.constant 2000 : i32
          %mul3A_150 = arith.muli %add3A_117, %mul3A_149 : i32
          %add3A_151 = arith.addi %mul3A_34, %mul3A_150 : i32
          %dma_wait3A = arith.constant 0 : i32
          %dma_wait3A_152 = tpu.memref_slice %arg7[%dma_wait3A] : memref<2016xi32, #tpu.memory_space<vmem>> -> memref<2000xi32, #tpu.memory_space<vmem>>
          %dma_wait3A_153 = tpu.memref_slice %arg2[%add3A_151] : memref<1000000xi32, #tpu.memory_space<hbm>> -> memref<2000xi32, #tpu.memory_space<hbm>>
          %dma_wait3A_154 = arith.constant 0 : i32
          %dma_wait3A_155 = tpu.memref_slice %arg7[%dma_wait3A_154] : memref<2016xi32, #tpu.memory_space<vmem>> -> memref<2000xi32, #tpu.memory_space<vmem>>
          %dma_wait3A_156 = tpu.memref_slice %arg2[%add3A_151] : memref<1000000xi32, #tpu.memory_space<hbm>> -> memref<2000xi32, #tpu.memory_space<hbm>>
          tpu.wait_dma2 semaphore(%arg10 : memref<!tpu.dma_semaphore, #tpu.memory_space<semaphore_mem>>) src(%dma_wait3A_156 : memref<2000xi32, #tpu.memory_space<hbm>>) dst(%dma_wait3A_155 : memref<2000xi32, #tpu.memory_space<vmem>>)
        } else {
        }
        %not3A_131 = arith.constant true
        %not3A_132 = arith.xori %and3A_127, %not3A_131 : i1
        %convert_element_type3A_133 = arith.extui %not3A_132 : i1 to i32
        %cond3A_134 = arith.constant 0 : i32
        %cond3A_135 = arith.cmpi ne, %convert_element_type3A_133, %cond3A_134 : i32
        scf.if %cond3A_135 {
          %mul3A_149 = arith.constant 2000 : i32
          %mul3A_150 = arith.muli %add3A_117, %mul3A_149 : i32
          %add3A_151 = arith.addi %mul3A_34, %mul3A_150 : i32
          %dma_wait3A = tpu.memref_slice %arg2[%add3A_151] : memref<1000000xi32, #tpu.memory_space<hbm>> -> memref<2016xi32, #tpu.memory_space<hbm>>
          %dma_wait3A_152 = tpu.memref_slice %arg2[%add3A_151] : memref<1000000xi32, #tpu.memory_space<hbm>> -> memref<2016xi32, #tpu.memory_space<hbm>>
          tpu.wait_dma2 semaphore(%arg10 : memref<!tpu.dma_semaphore, #tpu.memory_space<semaphore_mem>>) src(%dma_wait3A_152 : memref<2016xi32, #tpu.memory_space<hbm>>) dst(%arg7 : memref<2016xi32, #tpu.memory_space<vmem>>)
        } else {
        }
        %scan3A_136 = arith.constant 0 : i32
        %scan3A_137 = arith.constant 0 : i32
        %scan3A_138 = arith.constant 25 : i32
        %scan3A_139 = arith.addi %scan3A_137, %scan3A_138 : i32
        %scan3A_140 = arith.constant 1 : i32
        scf.for %scan3A_149 = %scan3A_137 to %scan3A_139 step %scan3A_140  : i32 {
          %mul3A_150 = arith.constant 5 : i32
          %mul3A_151 = arith.muli %scan3A_149, %mul3A_150 : i32
          %add3A_152 = arith.constant 0 : i32
          %add3A_153 = arith.addi %mul3A_151, %add3A_152 : i32
          %mul3A_154 = arith.constant 16 : i32
          %mul3A_155 = arith.muli %add3A_153, %mul3A_154 : i32
          %get3A = arith.index_cast %mul3A_155 : i32 to index
          %get3A_156 = tpu.vector_load %arg7[%get3A] {strides = array<i32>} : memref<2016xi32, #tpu.memory_space<vmem>>, vector<16xi32>,
          %add3A_157 = arith.constant 1 : i32
          %add3A_158 = arith.addi %mul3A_155, %add3A_157 : i32
          %get3A_159 = arith.index_cast %add3A_158 : i32 to index
          %get3A_160 = tpu.vector_load %arg7[%get3A_159] {strides = array<i32>} : memref<2016xi32, #tpu.memory_space<vmem>>, vector<16xi32>,
          %and3A_161 = arith.andi %get3A_156, %broadcast_in_dim3A_83 : vector<16xi32>
          %shift_right_logical3A = arith.constant 16 : i32
          %shift_right_logical3A_162 = vector.broadcast %shift_right_logical3A : i32 to vector<16xi32>
          %shift_right_logical3A_163 = arith.shrui %get3A_156, %shift_right_logical3A_162 : vector<16xi32>
          %and3A_164 = arith.andi %get3A_160, %broadcast_in_dim3A_83 : vector<16xi32>
          %sub3A_165 = arith.subi %and3A_161, %mul3A_79 : vector<16xi32>
          %mul3A_166 = arith.constant 1000 : i32
          %mul3A_167 = vector.broadcast %mul3A_166 : i32 to vector<16xi32>
          %mul3A_168 = arith.muli %sub3A_165, %mul3A_167 : vector<16xi32>
          %add3A_169 = arith.addi %mul3A_168, %shift_right_logical3A_163 : vector<16xi32>
          %bitcast3A = vector.bitcast %sub3A_165 : vector<16xi32> to vector<16xi32>
          %lt3A_170 = arith.cmpi ult, %bitcast3A, %broadcast_in_dim3A_81 : vector<16xi32>
          %sub3A_171 = arith.subi %shift_right_logical3A_163, %mul3A_79 : vector<16xi32>
          %mul3A_172 = arith.constant 1000 : i32
          %mul3A_173 = vector.broadcast %mul3A_172 : i32 to vector<16xi32>
          %mul3A_174 = arith.muli %sub3A_171, %mul3A_173 : vector<16xi32>
          %add3A_175 = arith.addi %mul3A_174, %and3A_164 : vector<16xi32>
          %bitcast3A_176 = vector.bitcast %sub3A_171 : vector<16xi32> to vector<16xi32>
          %lt3A_177 = arith.cmpi ult, %bitcast3A_176, %broadcast_in_dim3A_81 : vector<16xi32>
          %mul3A_178 = arith.constant 5 : i32
          %mul3A_179 = arith.muli %scan3A_149, %mul3A_178 : i32
          %add3A_180 = arith.constant 1 : i32
          %add3A_181 = arith.addi %mul3A_179, %add3A_180 : i32
          %mul3A_182 = arith.constant 16 : i32
          %mul3A_183 = arith.muli %add3A_181, %mul3A_182 : i32
          %get3A_184 = arith.index_cast %mul3A_183 : i32 to index
          %get3A_185 = tpu.vector_load %arg7[%get3A_184] {strides = array<i32>} : memref<2016xi32, #tpu.memory_space<vmem>>, vector<16xi32>,
          %add3A_186 = arith.constant 1 : i32
          %add3A_187 = arith.addi %mul3A_183, %add3A_186 : i32
          %get3A_188 = arith.index_cast %add3A_187 : i32 to index
          %get3A_189 = tpu.vector_load %arg7[%get3A_188] {strides = array<i32>} : memref<2016xi32, #tpu.memory_space<vmem>>, vector<16xi32>,
          %and3A_190 = arith.andi %get3A_185, %broadcast_in_dim3A_83 : vector<16xi32>
          %shift_right_logical3A_191 = arith.constant 16 : i32
          %shift_right_logical3A_192 = vector.broadcast %shift_right_logical3A_191 : i32 to vector<16xi32>
          %shift_right_logical3A_193 = arith.shrui %get3A_185, %shift_right_logical3A_192 : vector<16xi32>
          %and3A_194 = arith.andi %get3A_189, %broadcast_in_dim3A_83 : vector<16xi32>
          %sub3A_195 = arith.subi %and3A_190, %mul3A_79 : vector<16xi32>
          %mul3A_196 = arith.constant 1000 : i32
          %mul3A_197 = vector.broadcast %mul3A_196 : i32 to vector<16xi32>
          %mul3A_198 = arith.muli %sub3A_195, %mul3A_197 : vector<16xi32>
          %add3A_199 = arith.addi %mul3A_198, %shift_right_logical3A_193 : vector<16xi32>
          %bitcast3A_200 = vector.bitcast %sub3A_195 : vector<16xi32> to vector<16xi32>
          %lt3A_201 = arith.cmpi ult, %bitcast3A_200, %broadcast_in_dim3A_81 : vector<16xi32>
          %sub3A_202 = arith.subi %shift_right_logical3A_193, %mul3A_79 : vector<16xi32>
          %mul3A_203 = arith.constant 1000 : i32
          %mul3A_204 = vector.broadcast %mul3A_203 : i32 to vector<16xi32>
          %mul3A_205 = arith.muli %sub3A_202, %mul3A_204 : vector<16xi32>
          %add3A_206 = arith.addi %mul3A_205, %and3A_194 : vector<16xi32>
          %bitcast3A_207 = vector.bitcast %sub3A_202 : vector<16xi32> to vector<16xi32>
          %lt3A_208 = arith.cmpi ult, %bitcast3A_207, %broadcast_in_dim3A_81 : vector<16xi32>
          %mul3A_209 = arith.constant 5 : i32
          %mul3A_210 = arith.muli %scan3A_149, %mul3A_209 : i32
          %add3A_211 = arith.constant 2 : i32
          %add3A_212 = arith.addi %mul3A_210, %add3A_211 : i32
          %mul3A_213 = arith.constant 16 : i32
          %mul3A_214 = arith.muli %add3A_212, %mul3A_213 : i32
          %get3A_215 = arith.index_cast %mul3A_214 : i32 to index
          %get3A_216 = tpu.vector_load %arg7[%get3A_215] {strides = array<i32>} : memref<2016xi32, #tpu.memory_space<vmem>>, vector<16xi32>,
          %add3A_217 = arith.constant 1 : i32
          %add3A_218 = arith.addi %mul3A_214, %add3A_217 : i32
          %get3A_219 = arith.index_cast %add3A_218 : i32 to index
          %get3A_220 = tpu.vector_load %arg7[%get3A_219] {strides = array<i32>} : memref<2016xi32, #tpu.memory_space<vmem>>, vector<16xi32>,
          %and3A_221 = arith.andi %get3A_216, %broadcast_in_dim3A_83 : vector<16xi32>
          %shift_right_logical3A_222 = arith.constant 16 : i32
          %shift_right_logical3A_223 = vector.broadcast %shift_right_logical3A_222 : i32 to vector<16xi32>
          %shift_right_logical3A_224 = arith.shrui %get3A_216, %shift_right_logical3A_223 : vector<16xi32>
          %and3A_225 = arith.andi %get3A_220, %broadcast_in_dim3A_83 : vector<16xi32>
          %sub3A_226 = arith.subi %and3A_221, %mul3A_79 : vector<16xi32>
          %mul3A_227 = arith.constant 1000 : i32
          %mul3A_228 = vector.broadcast %mul3A_227 : i32 to vector<16xi32>
          %mul3A_229 = arith.muli %sub3A_226, %mul3A_228 : vector<16xi32>
          %add3A_230 = arith.addi %mul3A_229, %shift_right_logical3A_224 : vector<16xi32>
          %bitcast3A_231 = vector.bitcast %sub3A_226 : vector<16xi32> to vector<16xi32>
          %lt3A_232 = arith.cmpi ult, %bitcast3A_231, %broadcast_in_dim3A_81 : vector<16xi32>
          %sub3A_233 = arith.subi %shift_right_logical3A_224, %mul3A_79 : vector<16xi32>
          %mul3A_234 = arith.constant 1000 : i32
          %mul3A_235 = vector.broadcast %mul3A_234 : i32 to vector<16xi32>
          %mul3A_236 = arith.muli %sub3A_233, %mul3A_235 : vector<16xi32>
          %add3A_237 = arith.addi %mul3A_236, %and3A_225 : vector<16xi32>
          %bitcast3A_238 = vector.bitcast %sub3A_233 : vector<16xi32> to vector<16xi32>
          %lt3A_239 = arith.cmpi ult, %bitcast3A_238, %broadcast_in_dim3A_81 : vector<16xi32>
          %mul3A_240 = arith.constant 5 : i32
          %mul3A_241 = arith.muli %scan3A_149, %mul3A_240 : i32
          %add3A_242 = arith.constant 3 : i32
          %add3A_243 = arith.addi %mul3A_241, %add3A_242 : i32
          %mul3A_244 = arith.constant 16 : i32
          %mul3A_245 = arith.muli %add3A_243, %mul3A_244 : i32
          %get3A_246 = arith.index_cast %mul3A_245 : i32 to index
          %get3A_247 = tpu.vector_load %arg7[%get3A_246] {strides = array<i32>} : memref<2016xi32, #tpu.memory_space<vmem>>, vector<16xi32>,
          %add3A_248 = arith.constant 1 : i32
          %add3A_249 = arith.addi %mul3A_245, %add3A_248 : i32
          %get3A_250 = arith.index_cast %add3A_249 : i32 to index
          %get3A_251 = tpu.vector_load %arg7[%get3A_250] {strides = array<i32>} : memref<2016xi32, #tpu.memory_space<vmem>>, vector<16xi32>,
          %and3A_252 = arith.andi %get3A_247, %broadcast_in_dim3A_83 : vector<16xi32>
          %shift_right_logical3A_253 = arith.constant 16 : i32
          %shift_right_logical3A_254 = vector.broadcast %shift_right_logical3A_253 : i32 to vector<16xi32>
          %shift_right_logical3A_255 = arith.shrui %get3A_247, %shift_right_logical3A_254 : vector<16xi32>
          %and3A_256 = arith.andi %get3A_251, %broadcast_in_dim3A_83 : vector<16xi32>
          %sub3A_257 = arith.subi %and3A_252, %mul3A_79 : vector<16xi32>
          %mul3A_258 = arith.constant 1000 : i32
          %mul3A_259 = vector.broadcast %mul3A_258 : i32 to vector<16xi32>
          %mul3A_260 = arith.muli %sub3A_257, %mul3A_259 : vector<16xi32>
          %add3A_261 = arith.addi %mul3A_260, %shift_right_logical3A_255 : vector<16xi32>
          %bitcast3A_262 = vector.bitcast %sub3A_257 : vector<16xi32> to vector<16xi32>
          %lt3A_263 = arith.cmpi ult, %bitcast3A_262, %broadcast_in_dim3A_81 : vector<16xi32>
          %sub3A_264 = arith.subi %shift_right_logical3A_255, %mul3A_79 : vector<16xi32>
          %mul3A_265 = arith.constant 1000 : i32
          %mul3A_266 = vector.broadcast %mul3A_265 : i32 to vector<16xi32>
          %mul3A_267 = arith.muli %sub3A_264, %mul3A_266 : vector<16xi32>
          %add3A_268 = arith.addi %mul3A_267, %and3A_256 : vector<16xi32>
          %bitcast3A_269 = vector.bitcast %sub3A_264 : vector<16xi32> to vector<16xi32>
          %lt3A_270 = arith.cmpi ult, %bitcast3A_269, %broadcast_in_dim3A_81 : vector<16xi32>
          %mul3A_271 = arith.constant 5 : i32
          %mul3A_272 = arith.muli %scan3A_149, %mul3A_271 : i32
          %add3A_273 = arith.constant 4 : i32
          %add3A_274 = arith.addi %mul3A_272, %add3A_273 : i32
          %mul3A_275 = arith.constant 16 : i32
          %mul3A_276 = arith.muli %add3A_274, %mul3A_275 : i32
          %get3A_277 = arith.index_cast %mul3A_276 : i32 to index
          %get3A_278 = tpu.vector_load %arg7[%get3A_277] {strides = array<i32>} : memref<2016xi32, #tpu.memory_space<vmem>>, vector<16xi32>,
          %add3A_279 = arith.constant 1 : i32
          %add3A_280 = arith.addi %mul3A_276, %add3A_279 : i32
          %get3A_281 = arith.index_cast %add3A_280 : i32 to index
          %get3A_282 = tpu.vector_load %arg7[%get3A_281] {strides = array<i32>} : memref<2016xi32, #tpu.memory_space<vmem>>, vector<16xi32>,
          %and3A_283 = arith.andi %get3A_278, %broadcast_in_dim3A_83 : vector<16xi32>
          %shift_right_logical3A_284 = arith.constant 16 : i32
          %shift_right_logical3A_285 = vector.broadcast %shift_right_logical3A_284 : i32 to vector<16xi32>
          %shift_right_logical3A_286 = arith.shrui %get3A_278, %shift_right_logical3A_285 : vector<16xi32>
          %and3A_287 = arith.andi %get3A_282, %broadcast_in_dim3A_83 : vector<16xi32>
          %sub3A_288 = arith.subi %and3A_283, %mul3A_79 : vector<16xi32>
          %mul3A_289 = arith.constant 1000 : i32
          %mul3A_290 = vector.broadcast %mul3A_289 : i32 to vector<16xi32>
          %mul3A_291 = arith.muli %sub3A_288, %mul3A_290 : vector<16xi32>
          %add3A_292 = arith.addi %mul3A_291, %shift_right_logical3A_286 : vector<16xi32>
          %bitcast3A_293 = vector.bitcast %sub3A_288 : vector<16xi32> to vector<16xi32>
          %lt3A_294 = arith.cmpi ult, %bitcast3A_293, %broadcast_in_dim3A_81 : vector<16xi32>
          %sub3A_295 = arith.subi %shift_right_logical3A_286, %mul3A_79 : vector<16xi32>
          %mul3A_296 = arith.constant 1000 : i32
          %mul3A_297 = vector.broadcast %mul3A_296 : i32 to vector<16xi32>
          %mul3A_298 = arith.muli %sub3A_295, %mul3A_297 : vector<16xi32>
          %add3A_299 = arith.addi %mul3A_298, %and3A_287 : vector<16xi32>
          %bitcast3A_300 = vector.bitcast %sub3A_295 : vector<16xi32> to vector<16xi32>
          %lt3A_301 = arith.cmpi ult, %bitcast3A_300, %broadcast_in_dim3A_81 : vector<16xi32>
          tpu.vector_store_idx %arg4[%add3A_169], %broadcast_in_dim3A_75 masked %lt3A_170 {add = true} : memref<125008xf32, #tpu.memory_space<vmem>>[vector<16xi32>], vector<16xf32>, vector<16xi1>
          tpu.vector_store_idx %arg4[%add3A_175], %broadcast_in_dim3A_75 masked %lt3A_177 {add = true} : memref<125008xf32, #tpu.memory_space<vmem>>[vector<16xi32>], vector<16xf32>, vector<16xi1>
          tpu.vector_store_idx %arg4[%add3A_199], %broadcast_in_dim3A_75 masked %lt3A_201 {add = true} : memref<125008xf32, #tpu.memory_space<vmem>>[vector<16xi32>], vector<16xf32>, vector<16xi1>
          tpu.vector_store_idx %arg4[%add3A_206], %broadcast_in_dim3A_75 masked %lt3A_208 {add = true} : memref<125008xf32, #tpu.memory_space<vmem>>[vector<16xi32>], vector<16xf32>, vector<16xi1>
          tpu.vector_store_idx %arg4[%add3A_230], %broadcast_in_dim3A_75 masked %lt3A_232 {add = true} : memref<125008xf32, #tpu.memory_space<vmem>>[vector<16xi32>], vector<16xf32>, vector<16xi1>
          tpu.vector_store_idx %arg4[%add3A_237], %broadcast_in_dim3A_75 masked %lt3A_239 {add = true} : memref<125008xf32, #tpu.memory_space<vmem>>[vector<16xi32>], vector<16xf32>, vector<16xi1>
          tpu.vector_store_idx %arg4[%add3A_261], %broadcast_in_dim3A_75 masked %lt3A_263 {add = true} : memref<125008xf32, #tpu.memory_space<vmem>>[vector<16xi32>], vector<16xf32>, vector<16xi1>
          tpu.vector_store_idx %arg4[%add3A_268], %broadcast_in_dim3A_75 masked %lt3A_270 {add = true} : memref<125008xf32, #tpu.memory_space<vmem>>[vector<16xi32>], vector<16xf32>, vector<16xi1>
          tpu.vector_store_idx %arg4[%add3A_292], %broadcast_in_dim3A_75 masked %lt3A_294 {add = true} : memref<125008xf32, #tpu.memory_space<vmem>>[vector<16xi32>], vector<16xf32>, vector<16xi1>
          tpu.vector_store_idx %arg4[%add3A_299], %broadcast_in_dim3A_75 masked %lt3A_301 {add = true} : memref<125008xf32, #tpu.memory_space<vmem>>[vector<16xi32>], vector<16xf32>, vector<16xi1>
        }
        %scan3A_141 = arith.constant 25 : i32
        %add3A_142 = arith.constant 3 : i32
        %add3A_143 = arith.addi %add3A_117, %add3A_142 : i32
        %lt3A_144 = arith.constant 125 : i32
        %lt3A_145 = arith.cmpi slt, %add3A_143, %lt3A_144 : i32
        %convert_element_type3A_146 = arith.extui %lt3A_145 : i1 to i32
        %cond3A_147 = arith.constant 0 : i32
        %cond3A_148 = arith.cmpi ne, %convert_element_type3A_146, %cond3A_147 : i32
        scf.if %cond3A_148 {
          %add3A_149 = arith.constant 3 : i32
          %add3A_150 = arith.addi %add3A_117, %add3A_149 : i32
          %eq3A_151 = arith.constant 3 : i32
          %eq3A_152 = arith.cmpi eq, %add3A_30, %eq3A_151 : i32
          %eq3A_153 = arith.constant 124 : i32
          %eq3A_154 = arith.cmpi eq, %add3A_150, %eq3A_153 : i32
          %and3A_155 = arith.andi %eq3A_152, %eq3A_154 : i1
          %convert_element_type3A_156 = arith.extui %and3A_155 : i1 to i32
          %cond3A_157 = arith.constant 0 : i32
          %cond3A_158 = arith.cmpi ne, %convert_element_type3A_156, %cond3A_157 : i32
          scf.if %cond3A_158 {
            %mul3A_164 = arith.constant 2000 : i32
            %mul3A_165 = arith.muli %add3A_150, %mul3A_164 : i32
            %add3A_166 = arith.addi %mul3A_34, %mul3A_165 : i32
            %dma_start3A = arith.constant 0 : i32
            %dma_start3A_167 = tpu.memref_slice %arg7[%dma_start3A] : memref<2016xi32, #tpu.memory_space<vmem>> -> memref<2000xi32, #tpu.memory_space<vmem>>
            %dma_start3A_168 = tpu.memref_slice %arg2[%add3A_166] : memref<1000000xi32, #tpu.memory_space<hbm>> -> memref<2000xi32, #tpu.memory_space<hbm>>
            %dma_start3A_169 = arith.constant 0 : i32
            %dma_start3A_170 = tpu.memref_slice %arg7[%dma_start3A_169] : memref<2016xi32, #tpu.memory_space<vmem>> -> memref<2000xi32, #tpu.memory_space<vmem>>
            %dma_start3A_171 = tpu.memref_slice %arg2[%add3A_166] : memref<1000000xi32, #tpu.memory_space<hbm>> -> memref<2000xi32, #tpu.memory_space<hbm>>
            tpu.enqueue_dma source(%dma_start3A_171 : memref<2000xi32, #tpu.memory_space<hbm>>) target(%dma_start3A_170 : memref<2000xi32, #tpu.memory_space<vmem>>) target_semaphore(%arg10 : memref<!tpu.dma_semaphore, #tpu.memory_space<semaphore_mem>>)
          } else {
          }
          %not3A_159 = arith.constant true
          %not3A_160 = arith.xori %and3A_155, %not3A_159 : i1
          %convert_element_type3A_161 = arith.extui %not3A_160 : i1 to i32
          %cond3A_162 = arith.constant 0 : i32
          %cond3A_163 = arith.cmpi ne, %convert_element_type3A_161, %cond3A_162 : i32
          scf.if %cond3A_163 {
            %mul3A_164 = arith.constant 2000 : i32
            %mul3A_165 = arith.muli %add3A_150, %mul3A_164 : i32
            %add3A_166 = arith.addi %mul3A_34, %mul3A_165 : i32
            %dma_start3A = tpu.memref_slice %arg2[%add3A_166] : memref<1000000xi32, #tpu.memory_space<hbm>> -> memref<2016xi32, #tpu.memory_space<hbm>>
            %dma_start3A_167 = tpu.memref_slice %arg2[%add3A_166] : memref<1000000xi32, #tpu.memory_space<hbm>> -> memref<2016xi32, #tpu.memory_space<hbm>>
            tpu.enqueue_dma source(%dma_start3A_167 : memref<2016xi32, #tpu.memory_space<hbm>>) target(%arg7 : memref<2016xi32, #tpu.memory_space<vmem>>) target_semaphore(%arg10 : memref<!tpu.dma_semaphore, #tpu.memory_space<semaphore_mem>>)
          } else {
          }
        } else {
        }
      } else {
      }
    }
    %scan3A_89 = arith.constant 42 : i32
    %eq3A_90 = arith.constant 3 : i32
    %eq3A_91 = arith.cmpi eq, %add3A_30, %eq3A_90 : i32
    %convert_element_type3A_92 = arith.extui %eq3A_91 : i1 to i32
    %cond3A_93 = arith.constant 0 : i32
    %cond3A_94 = arith.cmpi ne, %convert_element_type3A_92, %cond3A_93 : i32
    scf.if %cond3A_94 {
      %get3A = arith.constant 1984 : index
      %get3A_95 = tpu.vector_load %arg6[%get3A] {strides = array<i32>} : memref<2016xi32, #tpu.memory_space<vmem>>, vector<16xi32>,
      %get3A_96 = arith.constant 1985 : index
      %get3A_97 = tpu.vector_load %arg6[%get3A_96] {strides = array<i32>} : memref<2016xi32, #tpu.memory_space<vmem>>, vector<16xi32>,
      %and3A_98 = arith.andi %get3A_95, %broadcast_in_dim3A_83 : vector<16xi32>
      %shift_right_logical3A = arith.constant 16 : i32
      %shift_right_logical3A_99 = vector.broadcast %shift_right_logical3A : i32 to vector<16xi32>
      %shift_right_logical3A_100 = arith.shrui %get3A_95, %shift_right_logical3A_99 : vector<16xi32>
      %and3A_101 = arith.andi %get3A_97, %broadcast_in_dim3A_83 : vector<16xi32>
      %sub3A_102 = arith.subi %and3A_98, %mul3A_79 : vector<16xi32>
      %mul3A_103 = arith.constant 1000 : i32
      %mul3A_104 = vector.broadcast %mul3A_103 : i32 to vector<16xi32>
      %mul3A_105 = arith.muli %sub3A_102, %mul3A_104 : vector<16xi32>
      %add3A_106 = arith.addi %mul3A_105, %shift_right_logical3A_100 : vector<16xi32>
      %bitcast3A = vector.bitcast %sub3A_102 : vector<16xi32> to vector<16xi32>
      %lt3A_107 = arith.cmpi ult, %bitcast3A, %broadcast_in_dim3A_81 : vector<16xi32>
      %sub3A_108 = arith.subi %shift_right_logical3A_100, %mul3A_79 : vector<16xi32>
      %mul3A_109 = arith.constant 1000 : i32
      %mul3A_110 = vector.broadcast %mul3A_109 : i32 to vector<16xi32>
      %mul3A_111 = arith.muli %sub3A_108, %mul3A_110 : vector<16xi32>
      %add3A_112 = arith.addi %mul3A_111, %and3A_101 : vector<16xi32>
      %bitcast3A_113 = vector.bitcast %sub3A_108 : vector<16xi32> to vector<16xi32>
      %lt3A_114 = arith.cmpi ult, %bitcast3A_113, %broadcast_in_dim3A_81 : vector<16xi32>
      %neg3A = arith.constant 0.000000e+00 : f32
      %neg3A_115 = vector.broadcast %neg3A : f32 to vector<16xf32>
      %neg3A_116 = arith.subf %neg3A_115, %broadcast_in_dim3A_75 : vector<16xf32>
      %eq3A_117 = arith.constant 15 : i32
      %eq3A_118 = vector.broadcast %eq3A_117 : i32 to vector<16xi32>
      %eq3A_119 = arith.cmpi eq, %iota3A, %eq3A_118 : vector<16xi32>
      %and3A_120 = arith.andi %lt3A_114, %eq3A_119 : vector<16xi1>
      tpu.vector_store_idx %arg4[%add3A_112], %neg3A_116 masked %and3A_120 {add = true} : memref<125008xf32, #tpu.memory_space<vmem>>[vector<16xi32>], vector<16xf32>, vector<16xi1>
    } else {
    }
    "tpu.region"() ({
      %run_scoped3A = tpu.sem_alloc : memref<!tpu.dma_semaphore, #tpu.memory_space<semaphore_mem>>
      %dma_start3A = arith.constant 0 : i32
      %dma_start3A_95 = tpu.memref_slice %arg4[%dma_start3A] : memref<125008xf32, #tpu.memory_space<vmem>> -> memref<125000xf32, #tpu.memory_space<vmem>>
      %dma_start3A_96 = arith.constant 0 : i32
      %dma_start3A_97 = tpu.memref_slice %arg3[%add3A_30, %select_n3A_7, %dma_start3A_96] : memref<4x8x125000xf32, #tpu.memory_space<hbm>> -> memref<1x1x125000xf32, #tpu.memory_space<hbm>>
      %dma_start3A_98 = tpu.memref_squeeze %dma_start3A_97 : memref<1x1x125000xf32, #tpu.memory_space<hbm>> -> memref<125000xf32, #tpu.memory_space<hbm>>
      %dma_start3A_99 = arith.constant 0 : i32
      %dma_start3A_100 = tpu.memref_slice %arg3[%add3A_30, %select_n3A_7, %dma_start3A_99] : memref<4x8x125000xf32, #tpu.memory_space<hbm>> -> memref<1x1x125000xf32, #tpu.memory_space<hbm>>
      %dma_start3A_101 = tpu.memref_squeeze %dma_start3A_100 : memref<1x1x125000xf32, #tpu.memory_space<hbm>> -> memref<125000xf32, #tpu.memory_space<hbm>>
      %dma_start3A_102 = arith.constant 0 : i32
      %dma_start3A_103 = tpu.memref_slice %arg4[%dma_start3A_102] : memref<125008xf32, #tpu.memory_space<vmem>> -> memref<125000xf32, #tpu.memory_space<vmem>>
      tpu.enqueue_dma source(%dma_start3A_103 : memref<125000xf32, #tpu.memory_space<vmem>>) target(%dma_start3A_101 : memref<125000xf32, #tpu.memory_space<hbm>>) target_semaphore(%run_scoped3A : memref<!tpu.dma_semaphore, #tpu.memory_space<semaphore_mem>>)
      %dma_wait3A = arith.constant 0 : i32
      %dma_wait3A_104 = tpu.memref_slice %arg4[%dma_wait3A] : memref<125008xf32, #tpu.memory_space<vmem>> -> memref<125000xf32, #tpu.memory_space<vmem>>
      %dma_wait3A_105 = arith.constant 0 : i32
      %dma_wait3A_106 = tpu.memref_slice %arg3[%add3A_30, %select_n3A_7, %dma_wait3A_105] : memref<4x8x125000xf32, #tpu.memory_space<hbm>> -> memref<1x1x125000xf32, #tpu.memory_space<hbm>>
      %dma_wait3A_107 = tpu.memref_squeeze %dma_wait3A_106 : memref<1x1x125000xf32, #tpu.memory_space<hbm>> -> memref<125000xf32, #tpu.memory_space<hbm>>
      %dma_wait3A_108 = arith.constant 0 : i32
      %dma_wait3A_109 = tpu.memref_slice %arg3[%add3A_30, %select_n3A_7, %dma_wait3A_108] : memref<4x8x125000xf32, #tpu.memory_space<hbm>> -> memref<1x1x125000xf32, #tpu.memory_space<hbm>>
      %dma_wait3A_110 = tpu.memref_squeeze %dma_wait3A_109 : memref<1x1x125000xf32, #tpu.memory_space<hbm>> -> memref<125000xf32, #tpu.memory_space<hbm>>
      %dma_wait3A_111 = arith.constant 0 : i32
      %dma_wait3A_112 = tpu.memref_slice %arg4[%dma_wait3A_111] : memref<125008xf32, #tpu.memory_space<vmem>> -> memref<125000xf32, #tpu.memory_space<vmem>>
      tpu.wait_dma2 semaphore(%run_scoped3A : memref<!tpu.dma_semaphore, #tpu.memory_space<semaphore_mem>>) src(%dma_wait3A_112 : memref<125000xf32, #tpu.memory_space<vmem>>) dst(%dma_wait3A_110 : memref<125000xf32, #tpu.memory_space<hbm>>)
      tpu.yield
    }) : () -> ()
    return
  }
}

module attributes {stable_mosaic.version = 14 : i64} {
  func.func @body(%arg0: memref<4x1000x1000xf32, #tpu.memory_space<vmem>>, %arg1: memref<1000x1000xf32, #tpu.memory_space<vmem>>, %arg2: memref<1000x1000xf32, #tpu.memory_space<vmem>>) attributes {dimension_semantics = [], scalar_prefetch = 0 : i64, scratch_operands = 0 : i64, tpu.core_type = #tpu.core_type<tc>} {
    %get3A = arith.constant 0 : index
    %get3A_0 = arith.constant 0 : index
    %get3A_1 = arith.constant 0 : index
    %get3A_2 = vector.load %arg0[%get3A, %get3A_0, %get3A_1] : memref<4x1000x1000xf32, #tpu.memory_space<vmem>>, vector<1x1000x1000xf32>
    %get3A_3 = vector.shape_cast %get3A_2 : vector<1x1000x1000xf32> to vector<1000x1000xf32>
    %get3A_4 = arith.constant 1 : index
    %get3A_5 = arith.constant 0 : index
    %get3A_6 = arith.constant 0 : index
    %get3A_7 = vector.load %arg0[%get3A_4, %get3A_5, %get3A_6] : memref<4x1000x1000xf32, #tpu.memory_space<vmem>>, vector<1x1000x1000xf32>
    %get3A_8 = vector.shape_cast %get3A_7 : vector<1x1000x1000xf32> to vector<1000x1000xf32>
    %add3A = arith.addf %get3A_3, %get3A_8 : vector<1000x1000xf32>
    %get3A_9 = arith.constant 2 : index
    %get3A_10 = arith.constant 0 : index
    %get3A_11 = arith.constant 0 : index
    %get3A_12 = vector.load %arg0[%get3A_9, %get3A_10, %get3A_11] : memref<4x1000x1000xf32, #tpu.memory_space<vmem>>, vector<1x1000x1000xf32>
    %get3A_13 = vector.shape_cast %get3A_12 : vector<1x1000x1000xf32> to vector<1000x1000xf32>
    %add3A_14 = arith.addf %add3A, %get3A_13 : vector<1000x1000xf32>
    %get3A_15 = arith.constant 3 : index
    %get3A_16 = arith.constant 0 : index
    %get3A_17 = arith.constant 0 : index
    %get3A_18 = vector.load %arg0[%get3A_15, %get3A_16, %get3A_17] : memref<4x1000x1000xf32, #tpu.memory_space<vmem>>, vector<1x1000x1000xf32>
    %get3A_19 = vector.shape_cast %get3A_18 : vector<1x1000x1000xf32> to vector<1000x1000xf32>
    %add3A_20 = arith.addf %add3A_14, %get3A_19 : vector<1000x1000xf32>
    %get3A_21 = arith.constant 0 : index
    %get3A_22 = arith.constant 0 : index
    %get3A_23 = vector.load %arg1[%get3A_21, %get3A_22] : memref<1000x1000xf32, #tpu.memory_space<vmem>>, vector<1000x1000xf32>
    %add3A_24 = arith.addf %add3A_20, %get3A_23 : vector<1000x1000xf32>
    %reduce_sum3A = arith.constant dense<0.000000e+00> : vector<1000xf32>
    %reduce_sum3A_25 = vector.multi_reduction <add>, %add3A_24, %reduce_sum3A [1] : vector<1000x1000xf32> to vector<1000xf32>
    %broadcast_in_dim3A = vector.shape_cast %reduce_sum3A_25 : vector<1000xf32> to vector<1000x1xf32>
    %add3A_26 = arith.constant 1.000000e+00 : f32
    %add3A_27 = vector.broadcast %add3A_26 : f32 to vector<1000x1000xf32>
    %add3A_28 = arith.addf %add3A_24, %add3A_27 : vector<1000x1000xf32>
    %add3A_29 = arith.constant 1.000000e+03 : f32
    %add3A_30 = vector.broadcast %add3A_29 : f32 to vector<1000x1xf32>
    %add3A_31 = arith.addf %broadcast_in_dim3A, %add3A_30 : vector<1000x1xf32>
    %div3A = vector.broadcast %add3A_31 : vector<1000x1xf32> to vector<1000x1000xf32>
    %div3A_32 = arith.divf %add3A_28, %div3A : vector<1000x1000xf32>
    %swap3A = arith.constant 0 : index
    %swap3A_33 = arith.constant 0 : index
    %swap3A_34 = vector.load %arg2[%swap3A, %swap3A_33] : memref<1000x1000xf32, #tpu.memory_space<vmem>>, vector<1000x1000xf32>
    tpu.vector_store %arg2[%swap3A, %swap3A_33], %div3A_32 {strides = array<i32>} : memref<1000x1000xf32, #tpu.memory_space<vmem>>, vector<1000x1000xf32>,
    return
  }
}

</mosaic_0001>

<sc_bundles>
// kernel: kernel.4.cloned.1.call-start
scs
__scs_entry_jumppad:
0x0: {  	(pc) =	sbr.rel $0x88, $3  }
0x1: {  	(tag) =	ssettag $0x0;
	lr =	simm.s32 $0x1  }
0x2: {  	[smem:$0x3F9F] =	sst lr;
	_ =	strace $0xD0000000  }
0x3: {  	_ = 	snop  }
0x4: {  	_ = 	snop  }
0x5: {  	_ = 	snop  }
0x6: {  	_ = 	snop  }
0x7: {  	_ = 	snop  }
__scs_overlays_trampoline_lowered:
0x8: {  	[smem:$0x3FAE] =	sst s0  }
0x9: {  	[smem:$0x3FAF] =	sst s1  }
0xa: {  	[smem:$0x3FB0] =	sst s2  }
0xb: {  	[smem:$0x3FB1] =	sst s3  }
0xc: {  	[smem:$0x3FB2] =	sst s4  }
0xd: {  	[smem:$0x3FB3] =	sst s5  }
0xe: {  	[smem:$0x3FB4] =	sst s6  }
0xf: {  	[smem:$0x3FB5] =	sst s7  }
0x10: {  	[smem:$0x3FB6] =	sst s8  }
0x11: {  	[smem:$0x3FB7] =	sst s9;
	s0 =	simm.s32 @!p0 $0x0  }
0x12: {  	s1 =	sld [smem:$0x3F9D];
	s0 =	simm.s32 @p0 $0x1  }
0x13: {  	[smem:$0x3FB8] =	sst s0;
	s0 =	simm.s32 @!p1 $0x0  }
0x14: {  	s2 =	sld [smem:$0x3F9C];
	s0 =	simm.s32 @p1 $0x1  }
0x15: {  	[smem:$0x3FB9] =	sst s0;
	s0 =	simm.s32 @!p2 $0x0  }
0x16: {  	s3 =	sld [smem:$0x3FDB];
	s0 =	simm.s32 @p2 $0x1  }
0x17: {  	s4 =	simm.s32 $0x1BF5;
	[smem:$0x3FBB] =	sst s0  }
0x18: {  	s0 =	sld [smem:$0x3F9E];
	_ =	swait.ge [sflag:s4], $0x0  }
0x19: {  	s7 =	sld [smem:$0x3F9F]  }
0x1a: {  	s8 =	sadd.s32 $0xFFFFE003, lr  }
0x1b: {  	s9 =	sadd.s32 $0xFFFFFEF7, lr;
	s5 =	simm.s32 $0xFFFFFFFF;
	p2 =	slt.u32 s8, $0xFFFFF086  }
0x1c: {  	p1 =	slt.u32 s9, $0xF7A;
	s5 =	simm.s32 @!p2 $0x0  }
0x1d: {  	s5 =	simm.s32 @p1 $0x1;
	p0 =	seq.s32 s7, s2  }
0x1e: {  	s7 =	smul.u32 @!p0 $0xF7A, s2;
	p2 =	seq.s32 @!p0 s5, $0x0  }
0x1f: {  	s9 =	smul.u32 $0xF7A, s1;
	s8 =	simm.s32 @!p0 $0x1BF5;
	p2 =	por !p2, p0  }
0x20: {  	[sflag:s8] =	ssyncset.s32 @!p0 $0xFFFFF086;
	s6 =	sadd.s32 @!p0 s3, s7;
	s7 =	simm.s32 @!p0 $0x108  }
0x21: {  	s3 =	sadd.s32 s3, s9;
	s6 =	sadd.s32 @!p0 $0x88, s6;
	s7 =	simm.s32 @p2 $0x1082  }
0x22: {  	[simem:s7], [sflag:s8] =	dma.local @!p0 [hbm:s6], $0xF7A  }
0x23: {  	s9 =	sor.u32 $0xD0000000, s2;
	s6 =	simm.s32 $0x108;
	_ =	swait.ge @!p0 [sflag:s8], $0x0  }
0x24: {  	s3 =	sadd.s32 $0x88, s3;
	s6 =	simm.s32 @!p1 $0x1082;
	[sflag:s4] =	ssyncset.s32 $0xFFFFF086  }
0x25: {  	[simem:s6], [sflag:s4] =	dma.local [hbm:s3], $0xF7A  }
0x26: {  	[smem:$0x3F9F] =	sst s1;
	(tag) =	ssettag s2;
	_ =	strace s9  }
0x27: {  	s1 =	sld [smem:$0x3FAF]  }
0x28: {  	s2 =	sld [smem:$0x3FB0]  }
0x29: {  	s4 =	sld [smem:$0x3FB2]  }
0x2a: {  	p0 =	seq.s32 s5, $0x0;
	s5 =	sld [smem:$0x3FB3]  }
0x2b: {  	s6 =	sld [smem:$0x3FB4]  }
0x2c: {  	s7 =	sld [smem:$0x3FB5]  }
0x2d: {  	s3 =	simm.s32 $0x108;
	s8 =	sld [smem:$0x3FB6]  }
0x2e: {  	s3 =	simm.s32 @!p0 $0x1082;
	s9 =	sld [smem:$0x3FB7]  }
0x2f: {  	lr =	sadd.s32 s0, s3;
	s0 =	sld [smem:$0x3FAE]  }
0x30: {  	s3 =	sld [smem:$0x3FB1]  }
0x31: {  	[smem:$0x3FBA] =	sst s10  }
0x32: {  	s10 =	sld [smem:$0x3FB8];
	_ =	sdelay $0x3  }
0x33: {  	p0 =	seq.s32 s10, $0x1;
	s10 =	sld [smem:$0x3FBA];
	_ =	sdelay $0x3  }
0x34: {  	[smem:$0x3FBA] =	sst s10  }
0x35: {  	s10 =	sld [smem:$0x3FB9];
	_ =	sdelay $0x3  }
0x36: {  	p1 =	seq.s32 s10, $0x1;
	s10 =	sld [smem:$0x3FBA];
	_ =	sdelay $0x3  }
0x37: {  	[smem:$0x3FBA] =	sst s10  }
0x38: {  	s10 =	sld [smem:$0x3FBB]  }
0x39: {  	_ = 	snop;
	(pc) =	sbr.ind lr, $3  }
0x3a: {  	_ = 	snop  }
0x3b: {  	_ = 	snop  }
0x3c: {  	p2 =	seq.s32 s10, $0x1;
	s10 =	sld [smem:$0x3FBA]  }
0x3d: {  	_ =	shalt  }
0x3e: {  	_ =	shalt  }
0x3f: {  	_ =	shalt  }
0x40: {  	_ =	shalt  }
0x41: {  	_ =	shalt  }
0x42: {  	_ =	shalt  }
0x43: {  	_ =	shalt  }
0x44: {  	_ =	shalt  }
0x45: {  	_ =	shalt  }
0x46: {  	_ =	shalt  }
0x47: {  	_ =	shalt  }
0x48: {  	_ =	shalt  }
0x49: {  	_ =	shalt  }
0x4a: {  	_ =	shalt  }
0x4b: {  	_ =	shalt  }
0x4c: {  	_ =	shalt  }
0x4d: {  	_ =	shalt  }
0x4e: {  	_ =	shalt  }
0x4f: {  	_ =	shalt  }
0x50: {  	_ =	shalt  }
0x51: {  	_ =	shalt  }
0x52: {  	_ =	shalt  }
0x53: {  	_ =	shalt  }
0x54: {  	_ =	shalt  }
0x55: {  	_ =	shalt  }
0x56: {  	_ =	shalt  }
0x57: {  	_ =	shalt  }
0x58: {  	_ =	shalt  }
0x59: {  	_ =	shalt  }
0x5a: {  	_ =	shalt  }
0x5b: {  	_ =	shalt  }
0x5c: {  	_ =	shalt  }
0x5d: {  	_ =	shalt  }
0x5e: {  	_ =	shalt  }
0x5f: {  	_ =	shalt  }
0x60: {  	_ =	shalt  }
0x61: {  	_ =	shalt  }
0x62: {  	_ =	shalt  }
0x63: {  	_ =	shalt  }
0x64: {  	_ =	shalt  }
0x65: {  	_ =	shalt  }
0x66: {  	_ =	shalt  }
0x67: {  	_ =	shalt  }
0x68: {  	_ =	shalt  }
0x69: {  	_ =	shalt  }
0x6a: {  	_ =	shalt  }
0x6b: {  	_ =	shalt  }
0x6c: {  	_ =	shalt  }
0x6d: {  	_ =	shalt  }
0x6e: {  	_ =	shalt  }
0x6f: {  	_ =	shalt  }
0x70: {  	_ =	shalt  }
0x71: {  	_ =	shalt  }
0x72: {  	_ =	shalt  }
0x73: {  	_ =	shalt  }
0x74: {  	_ =	shalt  }
0x75: {  	_ =	shalt  }
0x76: {  	_ =	shalt  }
0x77: {  	_ =	shalt  }
0x78: {  	_ =	shalt  }
0x79: {  	_ =	shalt  }
0x7a: {  	_ =	shalt  }
0x7b: {  	_ =	shalt  }
0x7c: {  	_ =	shalt  }
0x7d: {  	_ =	shalt  }
0x7e: {  	_ =	shalt  }
0x7f: {  	_ =	shalt  }
0x80: {  	_ =	shalt  }
0x81: {  	_ =	shalt  }
0x82: {  	_ =	shalt  }
0x83: {  	_ =	shalt  }
0x84: {  	_ =	shalt  }
0x85: {  	_ =	shalt  }
0x86: {  	_ =	shalt  }
0x87: {  	_ =	shalt  }
.Lfunc_end0:
.L_simem_size_0:
called_computation_lowered:
.L_overlay_start_0:
0x88: {  	s2 =	sld [smem:$0x3FD9]  }
0x89: {  	s3 =	sld [smem:$0x3FFE];
	_ =	sdelay $0x1  }
0x8a: {  	s1 =	srdreg.scid  }
0x8b: {  	s0 =	sand.u32 $0x1, s1  }
0x8c: {  	s17 =	sshll.u32 s0, $0xA;
	s2 =	sadd.s32 s3, s2  }
0x8d: {  	s2 =	sadd.s32 s2, s17  }
0x8e: {  	[smem:$0x3FC6] =	sst s2  }
0x8f: {  	_ = 	snop  }
0x90: {  	s2 =	sld [smem:$0x3FD0];
	(tm) =	ssettm $0x1  }
0x91: {  	s18 =	sld [smem:$0x3FFB];
	_ =	sdelay $0x3  }
0x92: {  	_ =	strace s18  }
0x93: {  	s3 =	sld [smem:$0x3FFC];
	_ =	sdelay $0x3  }
0x94: {  	_ =	strace s3  }
0x95: {  	s3 =	sld [smem:$0x3FFD];
	_ =	sdelay $0x3  }
0x96: {  	_ =	strace s3  }
0x97: {  	_ =	strace $0x8FFFFFFF  }
0x98: {  	s19 =	sld [smem:$0x3FDB];
	_ =	sdelay $0x1  }
0x99: {  	s4 =	simm.s32 $_scs_section_size  }
0x9a: {  	s5 =	simm.s32 $_size__tile_overlayer_lowered;
	s6 =	simm.s32 $_tile_overlayer_lowered  }
0x9b: {  	s22 =	simm.s32 $0x1BFF;
	s21 =	sshll.u32 s6, $0x1;
	s3 =	sadd.s32 s4, s19  }
0x9c: {  	s7 =	simm.s32 $0x0;
	s20 =	sshll.u32 s5, $0x1;
	s5 =	sadd.s32 s21, s3  }
0x9d: {  	[timem:s7], [sflag:s22] =	dma.local [hbm:s5], s20  }
0x9e: {  	_ =	swait.ge [sflag:s22], s20  }
0x9f: {  	s4 =	ssub.s32 $0x0, s20;
	[sflag:s22] =	ssyncset.done $0x0  }
0xa0: {  	[sflag:s22] =	ssyncadd.s32 s4;
	_ =	sdelay $0x1  }
0xa1: {  	s23 =	simm.s32 $0x1B8B  }
0xa2: {  	_ =	swait.ge [sflag:s23], $0x1  }
0xa3: {  	[sflag:s23] =	ssyncset.done $0x0  }
0xa4: {  	s25 =	simm.s32 $0x1B8E;
	s24 =	sld [smem:$0x3FFE];
	[sflag:s23] =	ssyncadd.s32 $0xFFFFFFFF  }
0xa5: {  	s26 =	simm.s32 $execute0_lowered;
	[smem:$0x3FD2] =	sst s25  }
0xa6: {  	s5 =	sshll.u32 s26, $0x1;
	_ =	strace $0x80000046;
	[dreg:$0x1] =	wrdreg $0xFFFFFFFF  }
0xa7: {  	s28 =	simm.s32 $_size_execute0_lowered;
	s3 =	sadd.s32 s3, s5;
	[dreg:$0x0] =	wrdreg $0x0  }
0xa8: {  	s5 =	sshll.u32 s28, $0x1;
	[dreg:$0x2] =	wrdreg s3  }
0xa9: {  	[dreg:$0x3] =	wrdreg s5  }
0xaa: {  	[dreg:$0x4] =	wrdreg $0xC0  }
0xab: {  	_ =	task [dreg:s7], $0x5FFFF  }
0xac: {  	[dreg:$0x1] =	wrdreg $0xFFFFFFFF  }
0xad: {  	[dreg:$0x0] =	wrdreg $0x60  }
0xae: {  	[dreg:$0x2] =	wrdreg s2  }
0xaf: {  	[dreg:$0x3] =	wrdreg s24  }
0xb0: {  	[dreg:$0x4] =	wrdreg $0x9  }
0xb1: {  	_ =	task.clear_ibuf [dreg:s7], $0x5FFFF;
	_ =	strace $0x90000046  }
0xb2: {  	s29 =	simm.s32 $0x9;
	_ =	strace $0x80000048  }
0xb3: {  	_ =	swait.ge [sflag:s29], $0x1  }
0xb4: {  	[sflag:s29] =	ssyncadd.s32 $0xFFFFFFFF  }
0xb5: {  	_ =	strace $0x90000048  }
0xb6: {  	_ =	sfence  }
0xb7: {  	s30 =	sld [smem:$0x0];
	_ =	sdelay $0x2  }
0xb8: {  	s31 =	sshll.u32 s1, $0xD;
	s1 =	sshrl.u32 s1, $0x2  }
0xb9: {  	s3 =	sand.u32 $0x4000, s31;
	s1 =	sadd.s32 s1, s30  }
0xba: {  	s0 =	sor.u32 s3, s0;
	s1 =	sshll.u32 s1, $0x11  }
0xbb: {  	s0 =	sor.u32 s1, s0  }
0xbc: {  	s0 =	sadd.s32 $0x8F2B, s0  }
0xbd: {  	[sflag:s0] =	ssyncadd.remote.s32 $0x1  }
0xbe: {  	_ =	sfence.sel $0xFFFF  }
0xbf: {  	[dreg:$0x0] =	wrdreg $0xFFFFFFFF;
	(pc) =	sbr.abs _section_cstart, $3  }
0xc0: {  	[dreg:$0x1] =	wrdreg $0xFFFFFFFF  }
0xc1: {  	_ =	task.clear_ibuf [dreg:s7], $0x2FFFF;
	_ =	strace $0x9FFFFFFF  }
0xc2: {  	(tm) =	ssettm $0x7FFFFFFF  }
0xc3: {  	_ =	shalt  }
tec
execute0_lowered:
.L_overlay_start_1:
0x0: {  	(tag) =	ssettag $0x1  }
0x1: {  	s1 =	srdreg.scid;
	s0 =	stileid.u32  }
0x2: {  	s7 =	rddreg [dreg:$0x1];
	s3 =	simm.s32 $0x0;
	s12 =	simm.s32 $0x1E850  }
0x3: {  	s13 =	simm.s32 $0x1F030;
	s14 =	simm.s32 $0x1F810;
	s17 =	simm.s32 $0x4  }
0x4: {  	s18 =	simm.s32 $0x3;
	s19 =	simm.s32 $0x0;
	s5 =	sand.u32 $0x1, s1  }
0x5: {  	s2 =	sshrl.u32 s0, $0x3;
	s6 =	sand.u32 $0x7, s0;
	s1 =	sshll.u32 s5, $0x1  }
0x6: {  	[smem:$0x7FF] =	sst s3;
	s8 =	smul.u32 $0x1E848, s6;
	s16 =	sor.u32 s2, s1  }
0x7: {  	s5 =	ssub.s32 $0x2, s5;
	s2 =	rddreg [dreg:$0x0];
	s4 =	smul.u32 $0xF4240, s16  }
0x8: {  	s15 =	smul.u32 $0x7D, s6;
	s1 =	rddreg [dreg:$0x2];
	_ =	strace $0x80000047  }
0x9: {  	s30 =	sshrl.u32 s5, $0x1;
	s8 =	sadd.s32 s8, s4;
	s4 =	smul.u32 $0x3D090, s16  }
.Ltmp0:
0xa: {  	s10 =	ssub.s32 s5, s30;
	v0 =	vmov s15;
	s15 =	simm.s32 $0x1;
	(pc) =	sbr.rel .LBB2_1-.Ltmp0, $4  }
0xb: {  	p0 =	sne.s32 s16, $0x3;
	s10 =	smax.u32 s10, $0x1;
	s8 =	sshrl.u32 s8, $0x3  }
0xc: {  	s16 =	simm.s32 $0x2;
	s9 =	sadd.s32 s8, s7;
	s31 =	sshrl.u32 s4, $0x3  }
0xd: {  	s8 =	sadd.s32 $0x1E74E, s2;
	s11 =	sadd.s32 $0x2710, s4;
	s5 =	sadd.s32 s2, s31  }
0xe: {  	v1 =	vimm.f32 $0.0e+00;
	v2 =	vimm.f32 $1.000000000e+00;
	vm0 =	vcmask @!p0 $0x3F3C;
	s9 =	sadd.s32 $0x200, s9;
	s6 =	sadd.s32 $0xFA, s5;
	s7 =	sadd.s32 $0x1F4, s5  }
.LBB2_17:
0xf: {  	v3 =	vld @!p0 [tilespmem:$0x1F7F0];
	_ =	sdelay $0x2  }
0x10: {  	v4 =	vld @!p0 [tilespmem:$0x1F7F1];
	_ =	sdelay $0x1  }
0x11: {  	v3 =	vshrl.u32 @!p0 v3, $0x10  }
0x12: {  	v3 =	vsub.s32 @!p0 v3, v0  }
0x13: {  	v5 =	vmul.u32 @!p0 $0x3E8, v3  }
0x14: {  	v6 =	vand.u32 @!p0 $0xFFFF, v4  }
0x15: {  	vm1 =	vlt.u32 @!p0 v3, $0x7D;
	v5 =	vadd.s32 @!p0 v6, v5  }
0x16: {  	v4 =	vand.u32 @!p0 $0x7, v4;
	vm1 =	vmand @!p0 vm1, vm0;
	v3 =	vand.u32 @!p0 $0xFFFFFFF8, v5  }
0x17: {  	v3 =	vor.u32 @!p0 v4, v3;
	_ =	sdelay $0x2  }
0x18: {  	s19 =	sadd.s32 $0x1, s19  }
0x19: {  	s20 =	simm.s32 @!p0 $0x0;
	p1 =	sne.s32 s19, s10;
	v4 =	vimm.f32 @!p0 $-1.000000000e+00  }
.Ltmp1:
0x1a: {  	[tilespmem:v3+s20+$0x0] =	vst.idx.add.f32.msk @!p0 vm1, v4;
	(pc) =	sbr.rel @!p1 .LBB2_18-.Ltmp1, $4  }
0x1b: {  	[hbm4b:s9+s3] =	stream.linear.scatter [tilespmem:s3], [sflag:$0x4], $0x1E848, $0x38;
	v63 =	vld [tilespmem:$0x0]  }
0x1c: {  	_ =	swait.ge [sflag:s17], $0x1E848  }
0x1d: {  	[sflag:s17] =	ssyncset.done $0x0  }
0x1e: {  	[sflag:s17] =	ssyncadd.s32 $0xFFFE17B8  }
.LBB2_1:
0x1f: {  	[tilespmem:s12], [sflag:$0x1] =	stream.linear.gather [hbm4b:s5+s3], $0x7E0, $0x38;
	v63 =	vld [tilespmem:$0x0]  }
0x20: {  	_ = 	snop  }
0x21: {  	[tilespmem:s13], [sflag:$0x2] =	stream.linear.gather [hbm4b:s6+s3], $0x7E0, $0x38;
	v63 =	vld [tilespmem:$0x0]  }
0x22: {  	s21 =	simm.s32 $0x0;
	s20 =	simm.s32 $0x340  }
0x23: {  	[tilespmem:s14], [sflag:$0x3] =	stream.linear.gather [hbm4b:s7+s3], $0x7E0, $0x38;
	v63 =	vld [tilespmem:$0x0]  }
.LBB2_2:
0x24: {  	p1 =	sne.s32 s20, $0x79E00;
	[tilespmem:s21+$0xC0] =	vst v1  }
0x25: {  	[tilespmem:s21+$0x0] =	vst v1  }
0x26: {  	[tilespmem:s21+$0x10] =	vst v1  }
0x27: {  	[tilespmem:s21+$0x20] =	vst v1  }
0x28: {  	[tilespmem:s21+$0x30] =	vst v1  }
0x29: {  	[tilespmem:s21+$0x40] =	vst v1  }
0x2a: {  	[tilespmem:s21+$0x50] =	vst v1  }
0x2b: {  	[tilespmem:s21+$0x60] =	vst v1  }
.Ltmp2:
0x2c: {  	[tilespmem:s21+$0x70] =	vst v1;
	(pc) =	sbr.rel @p1 .LBB2_2-.Ltmp2, $4  }
0x2d: {  	[tilespmem:s21+$0x80] =	vst v1  }
0x2e: {  	[tilespmem:s21+$0x90] =	vst v1  }
0x2f: {  	[tilespmem:s21+$0xA0] =	vst v1  }
0x30: {  	[tilespmem:s21+$0xB0] =	vst v1;
	s21 =	sshra.s32 s20, $0x2;
	s20 =	sadd.s32 $0x340, s20  }
0x31: {  	[tilespmem:s21+$0xC0] =	vst v1  }
0x32: {  	[tilespmem:s21+$0x0] =	vst v1  }
0x33: {  	[tilespmem:s21+$0x10] =	vst v1  }
0x34: {  	[tilespmem:s21+$0x20] =	vst v1  }
0x35: {  	[tilespmem:s21+$0x30] =	vst v1  }
0x36: {  	[tilespmem:s21+$0x40] =	vst v1  }
0x37: {  	[tilespmem:s21+$0x50] =	vst v1  }
0x38: {  	[tilespmem:s21+$0x60] =	vst v1  }
0x39: {  	[tilespmem:s21+$0x70] =	vst v1  }
0x3a: {  	[tilespmem:s21+$0x80] =	vst v1  }
0x3b: {  	[tilespmem:s21+$0x90] =	vst v1  }
0x3c: {  	[tilespmem:s21+$0xA0] =	vst v1  }
0x3d: {  	s20 =	simm.s32 $0x0;
	[tilespmem:s21+$0xB0] =	vst v1  }
.LBB2_4:
0x3e: {  	_ =	swait.ge [sflag:s15], $0x7E0  }
0x3f: {  	[sflag:s15] =	ssyncset.done $0x0  }
0x40: {  	s21 =	simm.s32 $0x0;
	[sflag:s15] =	ssyncadd.s32 $0xFFFFF820  }
0x41: {  	v3 =	vld [tilespmem:s21+$0x1E861]  }
0x42: {  	v4 =	vld [tilespmem:s21+$0x1E850]  }
0x43: {  	v5 =	vld [tilespmem:s21+$0x1E860]  }
0x44: {  	v6 =	vld [tilespmem:s21+$0x1E851]  }
0x45: {  	v7 =	vld [tilespmem:s21+$0x1E870];
	_ =	sdelay $0x2  }
0x46: {  	v8 =	vand.u32 $0xFFFF, v4;
	v4 =	vshrl.u32 v4, $0x10;
	v9 =	vand.u32 $0xFFFF, v3  }
0x47: {  	v11 =	vand.u32 $0x7, v3;
	v12 =	vand.u32 $0xFFFF, v5;
	v5 =	vshrl.u32 v5, $0x10  }
0x48: {  	v13 =	vand.u32 $0xFFFF, v6;
	v6 =	vand.u32 $0x7, v6;
	v16 =	vand.u32 $0xFFFF, v7  }
0x49: {  	v7 =	vshrl.u32 v7, $0x10;
	v8 =	vsub.s32 v8, v0;
	v10 =	vsub.s32 v4, v0  }
0x4a: {  	v14 =	vsub.s32 v5, v0;
	v12 =	vsub.s32 v12, v0;
	v3 =	vmul.u32 $0x3E8, v10  }
0x4b: {  	vm4 =	vlt.u32 v8, $0x7D;
	vm5 =	vlt.u32 v10, $0x7D;
	v10 =	vmul.u32 $0x3E8, v12  }
0x4c: {  	v15 =	vld [tilespmem:s21+$0x1E871];
	v8 =	vmul.u32 $0x3E8, v8;
	vm6 =	vlt.u32 v12, $0x7D;
	vm1 =	vlt.u32 v14, $0x7D  }
0x4d: {  	v14 =	vmul.u32 $0x3E8, v14;
	v3 =	vadd.s32 v13, v3;
	v12 =	vadd.s32 v5, v10  }
0x4e: {  	v13 =	vld [tilespmem:s21+$0x1E880];
	v4 =	vadd.s32 v4, v8;
	v5 =	vsub.s32 v16, v0;
	v8 =	vsub.s32 v7, v0  }
0x4f: {  	v18 =	vld [tilespmem:s21+$0x1E890];
	v9 =	vadd.s32 v9, v14;
	v3 =	vand.u32 $0xFFFFFFF8, v3;
	v62 =	vmul.u32 $0x3E8, v8  }
0x50: {  	vm2 =	vlt.u32 v5, $0x7D;
	v19 =	vmul.u32 $0x3E8, v5;
	v17 =	vor.u32 v6, v3  }
0x51: {  	vm3 =	vlt.u32 v8, $0x7D;
	v5 =	vld [tilespmem:s21+$0x1E891];
	v9 =	vand.u32 $0xFFFFFFF8, v9;
	v6 =	vand.u32 $0x7, v15  }
0x52: {  	v3 =	vld [tilespmem:s21+$0x1E881];
	v15 =	vand.u32 $0xFFFF, v15;
	v9 =	vor.u32 v11, v9;
	v7 =	vadd.s32 v7, v19  }
0x53: {  	v15 =	vadd.s32 v15, v62;
	v10 =	vand.u32 $0xFFFF, v13;
	v8 =	vshrl.u32 v13, $0x10  }
0x54: {  	v11 =	vshrl.u32 v18, $0x10;
	[tilespmem:v4+s3+$0x0] =	vst.idx.add.f32.msk vm4, v2;
	v20 =	vsub.s32 v10, v0;
	v14 =	vsub.s32 v8, v0  }
0x55: {  	v13 =	vmul.u32 $0x3E8, v20;
	v10 =	vmul.u32 $0x3E8, v14;
	vm4 =	vlt.u32 v20, $0x7D;
	[tilespmem:v17+s3+$0x0] =	vst.idx.add.f32.msk vm5, v2  }
0x56: {  	vm5 =	vlt.u32 v14, $0x7D;
	v14 =	vand.u32 $0xFFFFFFF8, v15;
	[tilespmem:v12+s3+$0x0] =	vst.idx.add.f32.msk vm6, v2;
	v12 =	vand.u32 $0xFFFF, v5  }
0x57: {  	s21 =	simm.s32 $0x140;
	v4 =	vadd.s32 v8, v13;
	v8 =	vand.u32 $0x7, v3;
	v13 =	vand.u32 $0xFFFF, v18  }
.LBB2_5:
0x58: {  	p1 =	sne.s32 s21, $0x1E00;
	v13 =	vsub.s32 v13, v0;
	v15 =	vsub.s32 v11, v0;
	v6 =	vor.u32 v6, v14;
	s22 =	smov.u32 s21;
	s21 =	sadd.s32 $0x140, s21  }
0x59: {  	v3 =	vand.u32 $0xFFFF, v3;
	v14 =	vmul.u32 $0x3E8, v13;
	v16 =	vmul.u32 $0x3E8, v15;
	[tilespmem:v9+s3+$0x0] =	vst.idx.add.f32.msk vm1, v2  }
0x5a: {  	v5 =	vand.u32 $0x7, v5;
	v3 =	vadd.s32 v3, v10;
	vm1 =	vlt.u32 v13, $0x7D;
	[tilespmem:v7+s3+$0x0] =	vst.idx.add.f32.msk vm2, v2  }
0x5b: {  	vm2 =	vlt.u32 v15, $0x7D;
	v3 =	vand.u32 $0xFFFFFFF8, v3;
	v7 =	vadd.s32 v12, v16  }
0x5c: {  	v9 =	vadd.s32 v11, v14;
	v3 =	vor.u32 v8, v3;
	v7 =	vand.u32 $0xFFFFFFF8, v7  }
0x5d: {  	[tilespmem:v6+s3+$0x0] =	vst.idx.add.f32.msk vm3, v2;
	v5 =	vor.u32 v5, v7  }
0x5e: {  	[tilespmem:v4+s3+$0x0] =	vst.idx.add.f32.msk vm4, v2;
	_ =	sdelay $0x2  }
0x5f: {  	[tilespmem:v3+s3+$0x0] =	vst.idx.add.f32.msk vm5, v2  }
0x60: {  	[tilespmem:v9+s3+$0x0] =	vst.idx.add.f32.msk vm1, v2  }
0x61: {  	s22 =	sshra.s32 s22, $0x2;
	[tilespmem:v5+s3+$0x0] =	vst.idx.add.f32.msk vm2, v2  }
0x62: {  	v3 =	vld [tilespmem:s22+$0x1E861]  }
0x63: {  	v4 =	vld [tilespmem:s22+$0x1E850]  }
0x64: {  	v5 =	vld [tilespmem:s22+$0x1E860]  }
0x65: {  	v6 =	vld [tilespmem:s22+$0x1E851];
	_ =	sdelay $0x1  }
0x66: {  	v7 =	vld [tilespmem:s22+$0x1E870]  }
0x67: {  	v9 =	vand.u32 $0xFFFF, v3;
	v8 =	vand.u32 $0xFFFF, v4;
	v4 =	vshrl.u32 v4, $0x10  }
0x68: {  	v11 =	vand.u32 $0x7, v3;
	v8 =	vsub.s32 v8, v0;
	v10 =	vsub.s32 v4, v0  }
0x69: {  	v12 =	vand.u32 $0xFFFF, v5;
	v5 =	vshrl.u32 v5, $0x10;
	v3 =	vmul.u32 $0x3E8, v10  }
0x6a: {  	v13 =	vand.u32 $0xFFFF, v6;
	v14 =	vsub.s32 v5, v0;
	v6 =	vand.u32 $0x7, v6  }
0x6b: {  	vm4 =	vlt.u32 v8, $0x7D;
	v12 =	vsub.s32 v12, v0;
	v3 =	vadd.s32 v13, v3;
	v13 =	vld [tilespmem:s22+$0x1E880]  }
0x6c: {  	vm5 =	vlt.u32 v10, $0x7D;
	v10 =	vmul.u32 $0x3E8, v12;
	v16 =	vand.u32 $0xFFFF, v7;
	v15 =	vld [tilespmem:s22+$0x1E871]  }
0x6d: {  	v8 =	vmul.u32 $0x3E8, v8;
	vm6 =	vlt.u32 v12, $0x7D;
	v7 =	vshrl.u32 v7, $0x10  }
0x6e: {  	vm1 =	vlt.u32 v14, $0x7D;
	v12 =	vadd.s32 v5, v10;
	v3 =	vand.u32 $0xFFFFFFF8, v3  }
0x6f: {  	v4 =	vadd.s32 v4, v8;
	v5 =	vsub.s32 v16, v0;
	v8 =	vsub.s32 v7, v0  }
0x70: {  	v16 =	vmul.u32 $0x3E8, v8;
	v18 =	vor.u32 v6, v3;
	v10 =	vand.u32 $0xFFFF, v13;
	v17 =	vld [tilespmem:s22+$0x1E890]  }
0x71: {  	v14 =	vmul.u32 $0x3E8, v14;
	vm2 =	vlt.u32 v5, $0x7D;
	v3 =	vld [tilespmem:s22+$0x1E881];
	v6 =	vand.u32 $0x7, v15  }
0x72: {  	v19 =	vmul.u32 $0x3E8, v5;
	v15 =	vand.u32 $0xFFFF, v15;
	v20 =	vsub.s32 v10, v0  }
0x73: {  	v9 =	vadd.s32 v9, v14;
	vm3 =	vlt.u32 v8, $0x7D;
	v8 =	vshrl.u32 v13, $0x10;
	v5 =	vld [tilespmem:s22+$0x1E891]  }
.Ltmp3:
0x74: {  	v14 =	vsub.s32 v8, v0;
	v13 =	vmul.u32 $0x3E8, v20;
	[tilespmem:v4+s3+$0x0] =	vst.idx.add.f32.msk vm4, v2;
	v4 =	vand.u32 $0xFFFFFFF8, v9;
	(pc) =	sbr.rel @p1 .LBB2_5-.Ltmp3, $4  }
0x75: {  	v7 =	vadd.s32 v7, v19;
	v10 =	vmul.u32 $0x3E8, v14;
	[tilespmem:v18+s3+$0x0] =	vst.idx.add.f32.msk vm5, v2;
	v9 =	vor.u32 v11, v4  }
0x76: {  	vm4 =	vlt.u32 v20, $0x7D;
	v4 =	vadd.s32 v8, v13;
	[tilespmem:v12+s3+$0x0] =	vst.idx.add.f32.msk vm6, v2;
	v8 =	vand.u32 $0x7, v3  }
0x77: {  	v15 =	vadd.s32 v15, v16;
	vm5 =	vlt.u32 v14, $0x7D;
	v13 =	vand.u32 $0xFFFF, v17  }
0x78: {  	v11 =	vshrl.u32 v17, $0x10;
	v14 =	vand.u32 $0xFFFFFFF8, v15;
	v12 =	vand.u32 $0xFFFF, v5  }
0x79: {  	_ = 	snop  }
0x7a: {  	v13 =	vsub.s32 v13, v0;
	v15 =	vsub.s32 v11, v0;
	v3 =	vand.u32 $0xFFFF, v3  }
0x7b: {  	v6 =	vor.u32 v6, v14;
	v59 =	vmul.u32 $0x3E8, v15;
	v3 =	vadd.s32 v3, v10  }
0x7c: {  	v5 =	vand.u32 $0x7, v5;
	v60 =	vmul.u32 $0x3E8, v13;
	v3 =	vand.u32 $0xFFFFFFF8, v3  }
0x7d: {  	vm6 =	vlt.u32 v13, $0x7D;
	v12 =	vadd.s32 v12, v59;
	v3 =	vor.u32 v8, v3  }
0x7e: {  	[tilespmem:v9+s3+$0x0] =	vst.idx.add.f32.msk vm1, v2;
	vm1 =	vlt.u32 v15, $0x7D;
	v61 =	vadd.s32 v11, v60;
	v62 =	vand.u32 $0xFFFFFFF8, v12  }
0x7f: {  	p1 =	seq.s32 s20, $0x29;
	[tilespmem:v7+s3+$0x0] =	vst.idx.add.f32.msk vm2, v2;
	v5 =	vor.u32 v5, v62  }
.Ltmp4:
0x80: {  	[tilespmem:v6+s3+$0x0] =	vst.idx.add.f32.msk vm3, v2;
	(pc) =	sbr.rel @!p1 .LBB2_7-.Ltmp4, $4  }
0x81: {  	[tilespmem:v4+s3+$0x0] =	vst.idx.add.f32.msk vm4, v2  }
0x82: {  	[tilespmem:v3+s3+$0x0] =	vst.idx.add.f32.msk vm5, v2  }
0x83: {  	[tilespmem:v61+s3+$0x0] =	vst.idx.add.f32.msk vm6, v2  }
0x84: {  	s21 =	smul.u32 $0x3, s20;
	[tilespmem:v5+s3+$0x0] =	vst.idx.add.f32.msk vm1, v2  }
.Ltmp5:
0x85: {  	(pc) =	sbr.rel @p0 .LBB2_8-.Ltmp5, $1  }
0x86: {  	_ =	sdelay $0x3  }
.Ltmp6:
0x87: {  	(pc) =	sbr.rel .LBB2_11-.Ltmp6, $4  }
0x88: {  	_ = 	snop  }
0x89: {  	_ =	swait.ge [sflag:s16], $0x7D0  }
0x8a: {  	[sflag:s16] =	ssyncset.done $0x0  }
0x8b: {  	[sflag:s16] =	ssyncadd.s32 $0xFFFFF830  }
.LBB2_7:
0x8c: {  	_ = 	snop  }
0x8d: {  	s22 =	sadd.s32 $0x3, s21  }
0x8e: {  	p2 =	sne.s32 @!p0 s22, $0x7C  }
0x8f: {  	p2 =	por p0, p2  }
0x90: {  	s22 =	smul.u32 @p2 $0x7D0, s22  }
0x91: {  	[tilespmem:s12], [sflag:$0x1] =	stream.linear.gather @!p2 [hbm4b:s8+s3], $0x7D0, $0x38;
	v63 =	vld [tilespmem:$0x0]  }
0x92: {  	s22 =	sadd.s32 @p2 s4, s22  }
0x93: {  	s22 =	sshrl.u32 @p2 s22, $0x3  }
0x94: {  	s22 =	sadd.s32 @p2 s2, s22  }
0x95: {  	[tilespmem:s12], [sflag:$0x1] =	stream.linear.gather @p2 [hbm4b:s22+s3], $0x7E0, $0x38;
	v63 =	vld [tilespmem:$0x0]  }
.LBB2_8:
0x96: {  	_ =	swait.ge [sflag:s16], $0x7E0  }
0x97: {  	[sflag:s16] =	ssyncset.done $0x0  }
0x98: {  	[sflag:s16] =	ssyncadd.s32 $0xFFFFF820  }
.LBB2_11:
0x99: {  	s22 =	simm.s32 $0x0  }
0x9a: {  	v3 =	vld [tilespmem:s22+$0x1F041]  }
0x9b: {  	v4 =	vld [tilespmem:s22+$0x1F030]  }
0x9c: {  	v5 =	vld [tilespmem:s22+$0x1F040]  }
0x9d: {  	v6 =	vld [tilespmem:s22+$0x1F031]  }
0x9e: {  	v7 =	vld [tilespmem:s22+$0x1F050];
	_ =	sdelay $0x2  }
0x9f: {  	v8 =	vand.u32 $0xFFFF, v4;
	v4 =	vshrl.u32 v4, $0x10;
	v9 =	vand.u32 $0xFFFF, v3  }
0xa0: {  	v11 =	vand.u32 $0x7, v3;
	v12 =	vand.u32 $0xFFFF, v5;
	v5 =	vshrl.u32 v5, $0x10  }
0xa1: {  	v13 =	vand.u32 $0xFFFF, v6;
	v6 =	vand.u32 $0x7, v6;
	v16 =	vand.u32 $0xFFFF, v7  }
0xa2: {  	v7 =	vshrl.u32 v7, $0x10;
	v8 =	vsub.s32 v8, v0;
	v10 =	vsub.s32 v4, v0  }
0xa3: {  	v14 =	vsub.s32 v5, v0;
	v12 =	vsub.s32 v12, v0;
	v3 =	vmul.u32 $0x3E8, v10  }
0xa4: {  	vm4 =	vlt.u32 v8, $0x7D;
	vm5 =	vlt.u32 v10, $0x7D;
	v10 =	vmul.u32 $0x3E8, v12  }
0xa5: {  	v15 =	vld [tilespmem:s22+$0x1F051];
	v8 =	vmul.u32 $0x3E8, v8;
	vm6 =	vlt.u32 v12, $0x7D;
	vm1 =	vlt.u32 v14, $0x7D  }
0xa6: {  	v14 =	vmul.u32 $0x3E8, v14;
	v3 =	vadd.s32 v13, v3;
	v12 =	vadd.s32 v5, v10  }
0xa7: {  	v13 =	vld [tilespmem:s22+$0x1F060];
	v4 =	vadd.s32 v4, v8;
	v5 =	vsub.s32 v16, v0;
	v8 =	vsub.s32 v7, v0  }
0xa8: {  	v18 =	vld [tilespmem:s22+$0x1F070];
	v9 =	vadd.s32 v9, v14;
	v3 =	vand.u32 $0xFFFFFFF8, v3;
	v62 =	vmul.u32 $0x3E8, v8  }
0xa9: {  	vm2 =	vlt.u32 v5, $0x7D;
	v19 =	vmul.u32 $0x3E8, v5;
	v17 =	vor.u32 v6, v3  }
0xaa: {  	vm3 =	vlt.u32 v8, $0x7D;
	v5 =	vld [tilespmem:s22+$0x1F071];
	v9 =	vand.u32 $0xFFFFFFF8, v9;
	v6 =	vand.u32 $0x7, v15  }
0xab: {  	v3 =	vld [tilespmem:s22+$0x1F061];
	v15 =	vand.u32 $0xFFFF, v15;
	v9 =	vor.u32 v11, v9;
	v7 =	vadd.s32 v7, v19  }
0xac: {  	v15 =	vadd.s32 v15, v62;
	v10 =	vand.u32 $0xFFFF, v13;
	v8 =	vshrl.u32 v13, $0x10  }
0xad: {  	v11 =	vshrl.u32 v18, $0x10;
	[tilespmem:v4+s3+$0x0] =	vst.idx.add.f32.msk vm4, v2;
	v20 =	vsub.s32 v10, v0;
	v14 =	vsub.s32 v8, v0  }
0xae: {  	v13 =	vmul.u32 $0x3E8, v20;
	v10 =	vmul.u32 $0x3E8, v14;
	vm4 =	vlt.u32 v20, $0x7D;
	[tilespmem:v17+s3+$0x0] =	vst.idx.add.f32.msk vm5, v2  }
0xaf: {  	vm5 =	vlt.u32 v14, $0x7D;
	v14 =	vand.u32 $0xFFFFFFF8, v15;
	[tilespmem:v12+s3+$0x0] =	vst.idx.add.f32.msk vm6, v2;
	v12 =	vand.u32 $0xFFFF, v5  }
0xb0: {  	s22 =	simm.s32 $0x140;
	v4 =	vadd.s32 v8, v13;
	v8 =	vand.u32 $0x7, v3;
	v13 =	vand.u32 $0xFFFF, v18  }
.LBB2_12:
0xb1: {  	p2 =	sne.s32 s22, $0x1E00;
	v13 =	vsub.s32 v13, v0;
	v15 =	vsub.s32 v11, v0;
	v6 =	vor.u32 v6, v14;
	s23 =	smov.u32 s22;
	s22 =	sadd.s32 $0x140, s22  }
0xb2: {  	v3 =	vand.u32 $0xFFFF, v3;
	v14 =	vmul.u32 $0x3E8, v13;
	v16 =	vmul.u32 $0x3E8, v15;
	[tilespmem:v9+s3+$0x0] =	vst.idx.add.f32.msk vm1, v2  }
0xb3: {  	v5 =	vand.u32 $0x7, v5;
	v3 =	vadd.s32 v3, v10;
	vm1 =	vlt.u32 v13, $0x7D;
	[tilespmem:v7+s3+$0x0] =	vst.idx.add.f32.msk vm2, v2  }
0xb4: {  	vm2 =	vlt.u32 v15, $0x7D;
	v3 =	vand.u32 $0xFFFFFFF8, v3;
	v7 =	vadd.s32 v12, v16  }
0xb5: {  	v9 =	vadd.s32 v11, v14;
	v3 =	vor.u32 v8, v3;
	v7 =	vand.u32 $0xFFFFFFF8, v7  }
0xb6: {  	[tilespmem:v6+s3+$0x0] =	vst.idx.add.f32.msk vm3, v2;
	v5 =	vor.u32 v5, v7  }
0xb7: {  	[tilespmem:v4+s3+$0x0] =	vst.idx.add.f32.msk vm4, v2;
	_ =	sdelay $0x2  }
0xb8: {  	[tilespmem:v3+s3+$0x0] =	vst.idx.add.f32.msk vm5, v2  }
0xb9: {  	[tilespmem:v9+s3+$0x0] =	vst.idx.add.f32.msk vm1, v2  }
0xba: {  	s23 =	sshra.s32 s23, $0x2;
	[tilespmem:v5+s3+$0x0] =	vst.idx.add.f32.msk vm2, v2  }
0xbb: {  	v3 =	vld [tilespmem:s23+$0x1F041]  }
0xbc: {  	v4 =	vld [tilespmem:s23+$0x1F030]  }
0xbd: {  	v5 =	vld [tilespmem:s23+$0x1F040]  }
0xbe: {  	v6 =	vld [tilespmem:s23+$0x1F031];
	_ =	sdelay $0x1  }
0xbf: {  	v7 =	vld [tilespmem:s23+$0x1F050]  }
0xc0: {  	v9 =	vand.u32 $0xFFFF, v3;
	v8 =	vand.u32 $0xFFFF, v4;
	v4 =	vshrl.u32 v4, $0x10  }
0xc1: {  	v11 =	vand.u32 $0x7, v3;
	v8 =	vsub.s32 v8, v0;
	v10 =	vsub.s32 v4, v0  }
0xc2: {  	v12 =	vand.u32 $0xFFFF, v5;
	v5 =	vshrl.u32 v5, $0x10;
	v3 =	vmul.u32 $0x3E8, v10  }
0xc3: {  	v13 =	vand.u32 $0xFFFF, v6;
	v14 =	vsub.s32 v5, v0;
	v6 =	vand.u32 $0x7, v6  }
0xc4: {  	vm4 =	vlt.u32 v8, $0x7D;
	v12 =	vsub.s32 v12, v0;
	v3 =	vadd.s32 v13, v3;
	v13 =	vld [tilespmem:s23+$0x1F060]  }
0xc5: {  	vm5 =	vlt.u32 v10, $0x7D;
	v10 =	vmul.u32 $0x3E8, v12;
	v16 =	vand.u32 $0xFFFF, v7;
	v15 =	vld [tilespmem:s23+$0x1F051]  }
0xc6: {  	v8 =	vmul.u32 $0x3E8, v8;
	vm6 =	vlt.u32 v12, $0x7D;
	v7 =	vshrl.u32 v7, $0x10  }
0xc7: {  	vm1 =	vlt.u32 v14, $0x7D;
	v12 =	vadd.s32 v5, v10;
	v3 =	vand.u32 $0xFFFFFFF8, v3  }
0xc8: {  	v4 =	vadd.s32 v4, v8;
	v5 =	vsub.s32 v16, v0;
	v8 =	vsub.s32 v7, v0  }
0xc9: {  	v16 =	vmul.u32 $0x3E8, v8;
	v18 =	vor.u32 v6, v3;
	v10 =	vand.u32 $0xFFFF, v13;
	v17 =	vld [tilespmem:s23+$0x1F070]  }
0xca: {  	v14 =	vmul.u32 $0x3E8, v14;
	vm2 =	vlt.u32 v5, $0x7D;
	v3 =	vld [tilespmem:s23+$0x1F061];
	v6 =	vand.u32 $0x7, v15  }
0xcb: {  	v19 =	vmul.u32 $0x3E8, v5;
	v15 =	vand.u32 $0xFFFF, v15;
	v20 =	vsub.s32 v10, v0  }
0xcc: {  	v9 =	vadd.s32 v9, v14;
	vm3 =	vlt.u32 v8, $0x7D;
	v8 =	vshrl.u32 v13, $0x10;
	v5 =	vld [tilespmem:s23+$0x1F071]  }
.Ltmp7:
0xcd: {  	v14 =	vsub.s32 v8, v0;
	v13 =	vmul.u32 $0x3E8, v20;
	[tilespmem:v4+s3+$0x0] =	vst.idx.add.f32.msk vm4, v2;
	v4 =	vand.u32 $0xFFFFFFF8, v9;
	(pc) =	sbr.rel @p2 .LBB2_12-.Ltmp7, $4  }
0xce: {  	v7 =	vadd.s32 v7, v19;
	v10 =	vmul.u32 $0x3E8, v14;
	[tilespmem:v18+s3+$0x0] =	vst.idx.add.f32.msk vm5, v2;
	v9 =	vor.u32 v11, v4  }
0xcf: {  	vm4 =	vlt.u32 v20, $0x7D;
	v4 =	vadd.s32 v8, v13;
	[tilespmem:v12+s3+$0x0] =	vst.idx.add.f32.msk vm6, v2;
	v8 =	vand.u32 $0x7, v3  }
0xd0: {  	v15 =	vadd.s32 v15, v16;
	vm5 =	vlt.u32 v14, $0x7D;
	v13 =	vand.u32 $0xFFFF, v17  }
0xd1: {  	v11 =	vshrl.u32 v17, $0x10;
	v14 =	vand.u32 $0xFFFFFFF8, v15;
	v12 =	vand.u32 $0xFFFF, v5  }
0xd2: {  	_ = 	snop  }
0xd3: {  	v13 =	vsub.s32 v13, v0;
	v15 =	vsub.s32 v11, v0;
	v3 =	vand.u32 $0xFFFF, v3  }
0xd4: {  	v6 =	vor.u32 v6, v14;
	v59 =	vmul.u32 $0x3E8, v15;
	v3 =	vadd.s32 v3, v10  }
0xd5: {  	v5 =	vand.u32 $0x7, v5;
	v60 =	vmul.u32 $0x3E8, v13;
	v3 =	vand.u32 $0xFFFFFFF8, v3  }
0xd6: {  	vm6 =	vlt.u32 v13, $0x7D;
	v12 =	vadd.s32 v12, v59;
	v3 =	vor.u32 v8, v3  }
0xd7: {  	[tilespmem:v9+s3+$0x0] =	vst.idx.add.f32.msk vm1, v2;
	vm1 =	vlt.u32 v15, $0x7D;
	v61 =	vadd.s32 v11, v60;
	v62 =	vand.u32 $0xFFFFFFF8, v12  }
0xd8: {  	[tilespmem:v7+s3+$0x0] =	vst.idx.add.f32.msk vm2, v2;
	v5 =	vor.u32 v5, v62  }
.Ltmp8:
0xd9: {  	[tilespmem:v6+s3+$0x0] =	vst.idx.add.f32.msk vm3, v2;
	(pc) =	sbr.rel @p1 .LBB2_17-.Ltmp8, $4  }
0xda: {  	[tilespmem:v4+s3+$0x0] =	vst.idx.add.f32.msk vm4, v2  }
0xdb: {  	[tilespmem:v3+s3+$0x0] =	vst.idx.add.f32.msk vm5, v2  }
0xdc: {  	[tilespmem:v61+s3+$0x0] =	vst.idx.add.f32.msk vm6, v2  }
0xdd: {  	[tilespmem:v5+s3+$0x0] =	vst.idx.add.f32.msk vm1, v2  }
0xde: {  	s21 =	sadd.s32 $0x4, s21  }
0xdf: {  	p1 =	sne.s32 @!p0 s21, $0x7C  }
0xe0: {  	p1 =	por p0, p1  }
0xe1: {  	s21 =	smul.u32 @p1 $0x7D0, s21  }
0xe2: {  	[tilespmem:s13], [sflag:$0x2] =	stream.linear.gather @!p1 [hbm4b:s8+s3], $0x7D0, $0x38;
	v63 =	vld [tilespmem:$0x0]  }
0xe3: {  	s21 =	sadd.s32 @p1 s4, s21  }
0xe4: {  	s21 =	sshrl.u32 @p1 s21, $0x3  }
0xe5: {  	s21 =	sadd.s32 @p1 s2, s21  }
0xe6: {  	[tilespmem:s13], [sflag:$0x2] =	stream.linear.gather @p1 [hbm4b:s21+s3], $0x7E0, $0x38;
	v63 =	vld [tilespmem:$0x0]  }
0xe7: {  	_ =	swait.ge [sflag:s18], $0x7E0  }
0xe8: {  	[sflag:s18] =	ssyncset.done $0x0  }
0xe9: {  	s31 =	simm.s32 $0x0;
	[sflag:s18] =	ssyncadd.s32 $0xFFFFF820  }
0xea: {  	v3 =	vld [tilespmem:s31+$0x1F821]  }
0xeb: {  	v4 =	vld [tilespmem:s31+$0x1F810]  }
0xec: {  	v5 =	vld [tilespmem:s31+$0x1F820]  }
0xed: {  	v6 =	vld [tilespmem:s31+$0x1F811]  }
0xee: {  	v7 =	vld [tilespmem:s31+$0x1F830];
	_ =	sdelay $0x2  }
0xef: {  	v8 =	vand.u32 $0xFFFF, v4;
	v4 =	vshrl.u32 v4, $0x10;
	v9 =	vand.u32 $0xFFFF, v3  }
0xf0: {  	v3 =	vand.u32 $0x7, v3;
	v12 =	vand.u32 $0xFFFF, v5;
	v5 =	vshrl.u32 v5, $0x10  }
0xf1: {  	v13 =	vand.u32 $0xFFFF, v6;
	v6 =	vand.u32 $0x7, v6;
	v16 =	vand.u32 $0xFFFF, v7  }
0xf2: {  	v8 =	vsub.s32 v8, v0;
	v10 =	vsub.s32 v4, v0;
	v14 =	vsub.s32 v5, v0  }
0xf3: {  	v12 =	vsub.s32 v12, v0;
	v11 =	vmul.u32 $0x3E8, v10;
	vm4 =	vlt.u32 v8, $0x7D  }
0xf4: {  	v15 =	vld [tilespmem:s31+$0x1F831];
	vm5 =	vlt.u32 v10, $0x7D;
	v10 =	vmul.u32 $0x3E8, v12;
	v8 =	vmul.u32 $0x3E8, v8  }
0xf5: {  	v7 =	vshrl.u32 v7, $0x10;
	vm6 =	vlt.u32 v12, $0x7D;
	vm1 =	vlt.u32 v14, $0x7D  }
0xf6: {  	v11 =	vadd.s32 v13, v11;
	v13 =	vld [tilespmem:s31+$0x1F840];
	v12 =	vadd.s32 v5, v10;
	v8 =	vadd.s32 v4, v8  }
0xf7: {  	v10 =	vsub.s32 v16, v0;
	v5 =	vand.u32 $0xFFFFFFF8, v11;
	v11 =	vsub.s32 v7, v0  }
0xf8: {  	vm2 =	vlt.u32 v10, $0x7D;
	v10 =	vmul.u32 $0x3E8, v10;
	v62 =	vmul.u32 $0x3E8, v11  }
0xf9: {  	v4 =	vld [tilespmem:s31+$0x1F841];
	v18 =	vor.u32 v6, v5;
	v5 =	vmul.u32 $0x3E8, v14;
	v6 =	vand.u32 $0x7, v15  }
0xfa: {  	v14 =	vld [tilespmem:s31+$0x1F850];
	v15 =	vand.u32 $0xFFFF, v15;
	vm3 =	vlt.u32 v11, $0x7D;
	v7 =	vadd.s32 v7, v10  }
0xfb: {  	v9 =	vadd.s32 v9, v5;
	v5 =	vld [tilespmem:s31+$0x1F851];
	v15 =	vadd.s32 v15, v62;
	v17 =	vand.u32 $0xFFFF, v13  }
0xfc: {  	v11 =	vshrl.u32 v13, $0x10;
	v9 =	vand.u32 $0xFFFFFFF8, v9;
	v17 =	vsub.s32 v17, v0  }
0xfd: {  	v19 =	vsub.s32 v11, v0;
	v9 =	vor.u32 v3, v9;
	v13 =	vmul.u32 $0x3E8, v17  }
0xfe: {  	[tilespmem:v8+s3+$0x0] =	vst.idx.add.f32.msk vm4, v2;
	v8 =	vand.u32 $0x7, v4;
	v10 =	vmul.u32 $0x3E8, v19;
	vm4 =	vlt.u32 v17, $0x7D  }
0xff: {  	[tilespmem:v18+s3+$0x0] =	vst.idx.add.f32.msk vm5, v2;
	vm5 =	vlt.u32 v19, $0x7D;
	v3 =	vadd.s32 v11, v13;
	v13 =	vand.u32 $0xFFFF, v14  }
0x100: {  	s21 =	simm.s32 $0x140;
	[tilespmem:v12+s3+$0x0] =	vst.idx.add.f32.msk vm6, v2;
	v11 =	vshrl.u32 v14, $0x10;
	v12 =	vand.u32 $0xFFFF, v5;
	v14 =	vand.u32 $0xFFFFFFF8, v15  }
.LBB2_15:
0x101: {  	p1 =	sne.s32 s21, $0x1E00;
	v13 =	vsub.s32 v13, v0;
	v15 =	vsub.s32 v11, v0;
	v6 =	vor.u32 v6, v14;
	s22 =	smov.u32 s21;
	s21 =	sadd.s32 $0x140, s21  }
0x102: {  	v4 =	vand.u32 $0xFFFF, v4;
	v14 =	vmul.u32 $0x3E8, v13;
	v16 =	vmul.u32 $0x3E8, v15;
	[tilespmem:v9+s3+$0x0] =	vst.idx.add.f32.msk vm1, v2  }
0x103: {  	v5 =	vand.u32 $0x7, v5;
	v4 =	vadd.s32 v4, v10;
	vm1 =	vlt.u32 v13, $0x7D;
	[tilespmem:v7+s3+$0x0] =	vst.idx.add.f32.msk vm2, v2  }
0x104: {  	vm2 =	vlt.u32 v15, $0x7D;
	v4 =	vand.u32 $0xFFFFFFF8, v4;
	v7 =	vadd.s32 v12, v16  }
0x105: {  	v9 =	vadd.s32 v11, v14;
	v4 =	vor.u32 v8, v4;
	v7 =	vand.u32 $0xFFFFFFF8, v7  }
0x106: {  	[tilespmem:v6+s3+$0x0] =	vst.idx.add.f32.msk vm3, v2;
	v5 =	vor.u32 v5, v7  }
0x107: {  	[tilespmem:v3+s3+$0x0] =	vst.idx.add.f32.msk vm4, v2;
	_ =	sdelay $0x2  }
0x108: {  	[tilespmem:v4+s3+$0x0] =	vst.idx.add.f32.msk vm5, v2  }
0x109: {  	[tilespmem:v9+s3+$0x0] =	vst.idx.add.f32.msk vm1, v2  }
0x10a: {  	s22 =	sshra.s32 s22, $0x2;
	[tilespmem:v5+s3+$0x0] =	vst.idx.add.f32.msk vm2, v2  }
0x10b: {  	v3 =	vld [tilespmem:s22+$0x1F821]  }
0x10c: {  	v4 =	vld [tilespmem:s22+$0x1F810]  }
0x10d: {  	v5 =	vld [tilespmem:s22+$0x1F820]  }
0x10e: {  	v6 =	vld [tilespmem:s22+$0x1F811];
	_ =	sdelay $0x1  }
0x10f: {  	v7 =	vld [tilespmem:s22+$0x1F830]  }
0x110: {  	v9 =	vand.u32 $0xFFFF, v3;
	v8 =	vand.u32 $0xFFFF, v4;
	v4 =	vshrl.u32 v4, $0x10  }
0x111: {  	v3 =	vand.u32 $0x7, v3;
	v8 =	vsub.s32 v8, v0;
	v10 =	vsub.s32 v4, v0  }
0x112: {  	v12 =	vand.u32 $0xFFFF, v5;
	v5 =	vshrl.u32 v5, $0x10;
	v11 =	vmul.u32 $0x3E8, v10  }
0x113: {  	v13 =	vand.u32 $0xFFFF, v6;
	v14 =	vsub.s32 v5, v0;
	v6 =	vand.u32 $0x7, v6  }
0x114: {  	vm4 =	vlt.u32 v8, $0x7D;
	v12 =	vsub.s32 v12, v0;
	v11 =	vadd.s32 v13, v11;
	v13 =	vld [tilespmem:s22+$0x1F840]  }
0x115: {  	vm5 =	vlt.u32 v10, $0x7D;
	v10 =	vmul.u32 $0x3E8, v12;
	v16 =	vand.u32 $0xFFFF, v7;
	v15 =	vld [tilespmem:s22+$0x1F831]  }
0x116: {  	v8 =	vmul.u32 $0x3E8, v8;
	vm6 =	vlt.u32 v12, $0x7D;
	v7 =	vshrl.u32 v7, $0x10  }
0x117: {  	vm1 =	vlt.u32 v14, $0x7D;
	v12 =	vadd.s32 v5, v10;
	v5 =	vand.u32 $0xFFFFFFF8, v11  }
0x118: {  	v8 =	vadd.s32 v4, v8;
	v10 =	vsub.s32 v16, v0;
	v11 =	vsub.s32 v7, v0  }
0x119: {  	v16 =	vmul.u32 $0x3E8, v11;
	v19 =	vor.u32 v6, v5;
	v17 =	vand.u32 $0xFFFF, v13;
	v18 =	vld [tilespmem:s22+$0x1F850]  }
0x11a: {  	v5 =	vmul.u32 $0x3E8, v14;
	vm2 =	vlt.u32 v10, $0x7D;
	v4 =	vld [tilespmem:s22+$0x1F841];
	v6 =	vand.u32 $0x7, v15  }
0x11b: {  	v10 =	vmul.u32 $0x3E8, v10;
	v14 =	vand.u32 $0xFFFF, v15;
	v15 =	vsub.s32 v17, v0  }
0x11c: {  	vm3 =	vlt.u32 v11, $0x7D;
	v9 =	vadd.s32 v9, v5;
	v11 =	vshrl.u32 v13, $0x10;
	v5 =	vld [tilespmem:s22+$0x1F851]  }
.Ltmp9:
0x11d: {  	v17 =	vsub.s32 v11, v0;
	v13 =	vmul.u32 $0x3E8, v15;
	[tilespmem:v8+s3+$0x0] =	vst.idx.add.f32.msk vm4, v2;
	v8 =	vand.u32 $0xFFFFFFF8, v9;
	(pc) =	sbr.rel @p1 .LBB2_15-.Ltmp9, $4  }
0x11e: {  	v7 =	vadd.s32 v7, v10;
	v10 =	vmul.u32 $0x3E8, v17;
	[tilespmem:v19+s3+$0x0] =	vst.idx.add.f32.msk vm5, v2;
	v9 =	vor.u32 v3, v8  }
0x11f: {  	vm4 =	vlt.u32 v15, $0x7D;
	v3 =	vadd.s32 v11, v13;
	[tilespmem:v12+s3+$0x0] =	vst.idx.add.f32.msk vm6, v2;
	v8 =	vand.u32 $0x7, v4  }
0x120: {  	v14 =	vadd.s32 v14, v16;
	vm5 =	vlt.u32 v17, $0x7D;
	v13 =	vand.u32 $0xFFFF, v18  }
0x121: {  	v14 =	vand.u32 $0xFFFFFFF8, v14;
	v11 =	vshrl.u32 v18, $0x10;
	v12 =	vand.u32 $0xFFFF, v5  }
0x122: {  	_ = 	snop  }
0x123: {  	v13 =	vsub.s32 v13, v0;
	v15 =	vsub.s32 v11, v0;
	v4 =	vand.u32 $0xFFFF, v4  }
0x124: {  	v6 =	vor.u32 v6, v14;
	v59 =	vmul.u32 $0x3E8, v15;
	v4 =	vadd.s32 v4, v10  }
0x125: {  	v5 =	vand.u32 $0x7, v5;
	v60 =	vmul.u32 $0x3E8, v13;
	v4 =	vand.u32 $0xFFFFFFF8, v4  }
0x126: {  	vm6 =	vlt.u32 v13, $0x7D;
	v12 =	vadd.s32 v12, v59;
	v4 =	vor.u32 v8, v4  }
0x127: {  	[tilespmem:v9+s3+$0x0] =	vst.idx.add.f32.msk vm1, v2;
	vm1 =	vlt.u32 v15, $0x7D;
	v61 =	vadd.s32 v11, v60;
	v62 =	vand.u32 $0xFFFFFFF8, v12  }
0x128: {  	p1 =	sgt.u32 s20, $0x27;
	[tilespmem:v7+s3+$0x0] =	vst.idx.add.f32.msk vm2, v2;
	v5 =	vor.u32 v5, v62  }
0x129: {  	s21 =	smul.u32 @!p1 $0x1770, s20;
	[tilespmem:v6+s3+$0x0] =	vst.idx.add.f32.msk vm3, v2  }
0x12a: {  	[tilespmem:v3+s3+$0x0] =	vst.idx.add.f32.msk vm4, v2  }
0x12b: {  	s21 =	sadd.s32 @!p1 s11, s21;
	[tilespmem:v4+s3+$0x0] =	vst.idx.add.f32.msk vm5, v2  }
0x12c: {  	s22 =	simm.s32 @!p1 $0x0;
	s21 =	sshrl.u32 @!p1 s21, $0x3;
	[tilespmem:v61+s3+$0x0] =	vst.idx.add.f32.msk vm6, v2  }
0x12d: {  	s23 =	simm.s32 @!p1 $0x1F810;
	s20 =	sadd.s32 $0x1, s20;
	s21 =	sadd.s32 @!p1 s2, s21;
	[tilespmem:v5+s3+$0x0] =	vst.idx.add.f32.msk vm1, v2  }
0x12e: {  	[tilespmem:s23], [sflag:$0x3] =	stream.linear.gather @!p1 [hbm4b:s21+s22], $0x7E0, $0x38;
	v63 =	vld [tilespmem:$0x0]  }
0x12f: {  	p1 =	sne.s32 s20, $0x2A  }
.Ltmp10:
0x130: {  	_ = 	snop;
	(pc) =	sbr.rel @p1 .LBB2_4-.Ltmp10, $4  }
.Ltmp11:
0x131: {  	_ = 	snop;
	(pc) =	sbr.rel @!p1 .LBB2_17-.Ltmp11, $4  }
0x132: {  	_ = 	snop  }
0x133: {  	_ = 	snop  }
0x134: {  	_ = 	snop  }
0x135: {  	_ = 	snop  }
.LBB2_18:
0x136: {  	_ =	sfence.sel $0x180000  }
0x137: {  	[bflag:$0x0] =	sbarrier.arrive $0xFFFF  }
0x138: {  	p0 =	sne.s32 s0, $0x0;
	_ =	strace $0x90000047  }
0x139: {  	s0 =	sadd.s32 @!p0 $0x100000, s1;
	[bflag:$0x2] =	sbarrier.arrive $0xFFFF  }
0x13a: {  	[sflag:s0] =	ssyncadd.tile.s32 @!p0 $0x1;
	_ =	shalt  }
.Lfunc_end2:
_tile_overlayer_lowered:
.L_overlay_start_2:
0x13b: {  	(tag) =	ssettag $0x2  }
0x13c: {  	s0 =	rddreg [dreg:$0x0];
	s2 =	stileid.u32  }
0x13d: {  	s1 =	rddreg [dreg:$0x1];
	p0 =	sne.s32 s2, $0x0  }
0x13e: {  	s3 =	rddreg [dreg:$0x2];
	[bflag:$0x3] =	sbarrier.arrive $0xFFFF;
	s2 =	simm.s32 @!p0 $0x1C04  }
0x13f: {  	[timem:s3], [sflag:s2] =	dma.local @!p0 [hbm:s0], s1  }
0x140: {  	s0 =	simm.s32 @!p0 $0x4  }
0x141: {  	_ =	swait.ge @!p0 [sflag:s0], s1  }
0x142: {  	s1 =	ssub.s32 @!p0 $0x0, s1;
	[sflag:s0] =	ssyncset.done @!p0 $0x0  }
0x143: {  	[sflag:s0] =	ssyncadd.s32 @!p0 s1  }
0x144: {  	[bflag:$0x3] =	sbarrier.arrive $0xFFFF  }
0x145: {  	_ =	shalt  }

</sc_bundles>
